<compile_context>
chip_gen: v7x
topology: tpu7x:2x2x1
jax: 0.10.2.dev20260603
libtpu: 0.0.44.dev20260713+nightly
codegen_flags: <defaults>
</compile_context>

<pallas_src>
import functools

import jax
import jax.numpy as jnp
from jax import lax
from jax.experimental import pallas as pl
from jax.experimental.pallas import tpu as pltpu
from jax.experimental.pallas import tpu_sc as plsc

B, N, P, LRF, M = 4, 8192, 1024, 4, 2048

NC, NS, L = 2, 16, 16
NW = NC * NS
PB = L
NCB = P // PB
UNITS = B * NCB
UPW = UNITS // NW
NH = 2
NHALF = N // NH
NTH = NHALF // 8
MC = 128
NMC = M // MC

_mesh = plsc.VectorSubcoreMesh(core_axis_name="c", subcore_axis_name="s")


@functools.partial(
    pl.kernel,
    out_type=jax.ShapeDtypeStruct((B, M, P), jnp.float32),
    mesh=_mesh,
    scratch_types=[
        pltpu.VMEM((NTH, 8, PB), jnp.float32),
        pltpu.VMEM((M, PB), jnp.float32),
        pltpu.VMEM((MC, LRF, PB), jnp.int32),
        pltpu.VMEM((MC, LRF, PB), jnp.int32),
        pltpu.SemaphoreType.DMA,
        pltpu.SemaphoreType.DMA,
    ],
    compiler_params=pltpu.CompilerParams(
        use_tc_tiling_on_sc=False, needs_layout_passes=False
    ),
)
def _mc_max_pool(x_hbm, lrf_hbm, out_hbm, xbuf, acc, ibuf0, ibuf1, sem0, sem1):
    wid = lax.axis_index("s") * NC + lax.axis_index("c")
    neg_inf = jnp.full((L,), -jnp.inf, dtype=jnp.float32)
    lane = jnp.arange(L, dtype=jnp.int32)

    def unit_body(u, carry):
        unit = wid * UPW + u
        b = unit // NCB
        cb = unit % NCB
        pt = cb // 8
        cl0 = (cb % 8) * PB

        def lrf_chunk(mc):
            return lrf_hbm.at[pl.ds(mc * MC, MC), pt, :, pl.ds(cl0, PB)]

        for h in range(NH):
            pltpu.sync_copy(
                x_hbm.at[b, pl.ds(h * NTH, NTH), pt, :, pl.ds(cl0, PB)], xbuf
            )
            pltpu.async_copy(lrf_chunk(0), ibuf0, sem0)

            def process(ibuf, mc, h=h):
                def m_body(mi):
                    vmax = None
                    for k in range(LRF):
                        idx = ibuf[mi, k]
                        if h == 0:
                            msk = idx < NHALF
                            jc = jnp.minimum(idx, NHALF - 1)
                        else:
                            jloc = idx - NHALF
                            msk = jloc >= 0
                            jc = jnp.maximum(jloc, 0)
                        v = plsc.load_gather(
                            xbuf,
                            [
                                jnp.right_shift(jc, 3),
                                jnp.bitwise_and(jc, 7),
                                lane,
                            ],
                        )
                        v = jnp.where(msk, v, neg_inf)
                        vmax = v if vmax is None else jnp.maximum(vmax, v)
                    row = mc * MC + mi
                    if h == 0:
                        acc[row] = vmax
                    else:
                        acc[row] = jnp.maximum(acc[row], vmax)

                plsc.parallel_loop(0, MC, unroll=2)(m_body)

            def pair_body(mcp, _, h=h):
                mc0 = 2 * mcp
                pltpu.make_async_copy(lrf_chunk(mc0), ibuf0, sem0).wait()
                pltpu.async_copy(lrf_chunk(mc0 + 1), ibuf1, sem1)
                process(ibuf0, mc0)
                pltpu.make_async_copy(lrf_chunk(mc0 + 1), ibuf1, sem1).wait()

                @pl.when(mcp < NMC // 2 - 1)
                def _prefetch():
                    pltpu.async_copy(lrf_chunk(mc0 + 2), ibuf0, sem0)

                process(ibuf1, mc0 + 1)
                return _

            lax.fori_loop(0, NMC // 2, pair_body, None)

        pltpu.sync_copy(acc, out_hbm.at[b, :, pl.ds(cb * PB, PB)])
        return carry

    lax.fori_loop(0, UPW, unit_body, None)


def kernel(x, lrf_idx):
    x5 = jnp.transpose(x.reshape(B, N // 8, 8, P // 128, 128), (0, 1, 3, 2, 4))
    lrf4 = jnp.transpose(lrf_idx.reshape(M, 8, 128, LRF), (0, 1, 3, 2))
    return _mc_max_pool(x5, lrf4)

# --- scband reference (transcript-rebuilt; emitter-appended) ---
"""Pipeline reference for scband-separable-monte-carlo-max-pooling-v2-15247133900972 (READ-ONLY COPY).

The authoritative reference and input builder live on the scoring server;
editing this copy changes nothing except your own understanding.
"""

import jax, jax.numpy as jnp
import numpy as np

B = 4
N = 8192
P = 1024
LRF_SIZE = 4
M = 2048


def setup_inputs(seed: int = 0) -> dict:
    key = jax.random.key(seed)
    x = jax.random.normal(key, (B, N, P), dtype=jnp.float32)
    # Build the LRF index table exactly like the layer's build_LRF():
    # one random permutation of the n points per channel, reshaped to [m, LRF_size].
    # Since n == m * LRF_size, the original slice [0 : m*LRF_size + 1] yields exactly
    # m*LRF_size elements.
    rng = np.random.RandomState(0)
    lrf = np.zeros((M, P, LRF_SIZE), dtype=np.int32)
    for c in range(P):
        perm = rng.permutation(N)
        lrf[:, c, :] = perm[: M * LRF_SIZE].reshape(M, LRF_SIZE)
    return {"x": x, "lrf_idx": jnp.asarray(lrf)}


def reference(x, lrf_idx):
    # x: [b, n, p]; lrf_idx: [m, p, LRF_size] (point indices; channel index is implicit)
    xt = jnp.transpose(x, (1, 2, 0))  # [n, p, b]
    ch = jnp.arange(P, dtype=jnp.int32).reshape(1, P, 1)  # broadcast channel index
    # Equivalent of tf.gather_nd with 2-tuple (point_idx, channel_idx) indices:
    col = xt[lrf_idx, ch]  # [m, p, LRF_size, b]
    col = jnp.transpose(col, (3, 0, 2, 1))  # [b, m, LRF_size, p]
    return jnp.max(col, axis=2)  # [b, m, p]

if __name__ == "__main__":
    import jax
    _d = setup_inputs()
    print(jax.jit(kernel)(*tuple(_d.values())))

</pallas_src>

<mosaic_0001>
#map = affine_map<(d0, d1) -> (0, 0, 0, 0, 0)>
#map1 = affine_map<(d0, d1) -> (0, 0, 0, 0)>
#map2 = affine_map<(d0, d1) -> (0, 0, 0)>
module attributes {stable_mosaic.version = 14 : i64} {
  func.func @_mc_max_pool(%arg0: i32, %arg1: i32, %arg2: memref<4x1024x8x8x128xf32, #tpu.memory_space<hbm>>, %arg3: memref<2048x8x4x128xi32, #tpu.memory_space<hbm>>, %arg4: memref<4x2048x1024xf32, #tpu.memory_space<hbm>>, %arg5: memref<512x8x16xf32, #tpu.memory_space<vmem>>, %arg6: memref<2048x16xf32, #tpu.memory_space<vmem>>, %arg7: memref<128x4x16xi32, #tpu.memory_space<vmem>>, %arg8: memref<128x4x16xi32, #tpu.memory_space<vmem>>, %arg9: memref<!tpu.dma_semaphore, #tpu.memory_space<semaphore_mem>>, %arg10: memref<!tpu.dma_semaphore, #tpu.memory_space<semaphore_mem>>) attributes {dimension_semantics = [#tpu.dimension_semantics<core_parallel>, #tpu.dimension_semantics<subcore_parallel>], iteration_bounds = array<i64: 2, 16>, scalar_prefetch = 0 : i64, scratch_operands = 6 : i64, tpu.core_type = #tpu.core_type<sc_vector_subcore>, window_params = [{transform_indices = #map}, {transform_indices = #map1}, {transform_indices = #map2}]} {
    %mul3A = arith.constant 2 : i32
    %mul3A_0 = arith.muli %arg1, %mul3A : i32
    %add3A = arith.addi %mul3A_0, %arg0 : i32
    %broadcast_in_dim3A = arith.constant 0xFF800000 : f32
    %broadcast_in_dim3A_1 = vector.broadcast %broadcast_in_dim3A : f32 to vector<16xf32>
    %iota3A = tpu.iota {dimensions = array<i32: 0>} : vector<16xi32>
    %scan3A = arith.constant 0 : i32
    %scan3A_2 = arith.constant 8 : i32
    %scan3A_3 = arith.addi %scan3A, %scan3A_2 : i32
    %scan3A_4 = arith.constant 1 : i32
    scf.for %scan3A_6 = %scan3A to %scan3A_3 step %scan3A_4  : i32 {
      %mul3A_7 = arith.constant 8 : i32
      %mul3A_8 = arith.muli %add3A, %mul3A_7 : i32
      %add3A_9 = arith.addi %mul3A_8, %scan3A_6 : i32
      %jit3A = arith.constant 64 : i32
      %div3A = arith.divsi %add3A_9, %jit3A : i32
      %sign3A = arith.constant 0 : i32
      %sign3A_10 = arith.cmpi sgt, %add3A_9, %sign3A : i32
      %sign3A_11 = arith.extui %sign3A_10 : i1 to i32
      %sign3A_12 = arith.constant 0 : i32
      %sign3A_13 = arith.cmpi slt, %add3A_9, %sign3A_12 : i32
      %sign3A_14 = arith.extui %sign3A_13 : i1 to i32
      %sign3A_15 = arith.subi %sign3A_11, %sign3A_14 : i32
      %sign3A_16 = arith.constant 0 : i32
      %sign3A_17 = arith.cmpi sgt, %jit3A, %sign3A_16 : i32
      %sign3A_18 = arith.extui %sign3A_17 : i1 to i32
      %sign3A_19 = arith.constant 0 : i32
      %sign3A_20 = arith.cmpi slt, %jit3A, %sign3A_19 : i32
      %sign3A_21 = arith.extui %sign3A_20 : i1 to i32
      %sign3A_22 = arith.subi %sign3A_18, %sign3A_21 : i32
      %ne3A = arith.cmpi ne, %sign3A_15, %sign3A_22 : i32
      %rem3A = arith.remsi %add3A_9, %jit3A : i32
      %ne3A_23 = arith.constant 0 : i32
      %ne3A_24 = arith.cmpi ne, %rem3A, %ne3A_23 : i32
      %and3A = arith.andi %ne3A, %ne3A_24 : i1
      %sub3A = arith.constant 1 : i32
      %sub3A_25 = arith.subi %div3A, %sub3A : i32
      %select_n3A = arith.select %and3A, %sub3A_25, %div3A : i32
      %jit3A_26 = arith.constant 64 : i32
      %eq3A = arith.constant 0 : i32
      %eq3A_27 = arith.cmpi eq, %jit3A_26, %eq3A : i32
      %jit3A_28 = arith.constant 1 : i32
      %select_n3A_29 = arith.select %eq3A_27, %jit3A_28, %jit3A_26 : i32
      %rem3A_30 = arith.remsi %add3A_9, %select_n3A_29 : i32
      %ne3A_31 = arith.constant 0 : i32
      %ne3A_32 = arith.cmpi ne, %rem3A_30, %ne3A_31 : i32
      %lt3A = arith.constant 0 : i32
      %lt3A_33 = arith.cmpi slt, %rem3A_30, %lt3A : i32
      %lt3A_34 = arith.constant 0 : i32
      %lt3A_35 = arith.cmpi slt, %select_n3A_29, %lt3A_34 : i32
      %ne3A_36 = arith.xori %lt3A_33, %lt3A_35 : i1
      %and3A_37 = arith.andi %ne3A_36, %ne3A_32 : i1
      %add3A_38 = arith.addi %rem3A_30, %select_n3A_29 : i32
      %select_n3A_39 = arith.select %and3A_37, %add3A_38, %rem3A_30 : i32
      %jit3A_40 = arith.constant 8 : i32
      %div3A_41 = arith.divsi %select_n3A_39, %jit3A_40 : i32
      %sign3A_42 = arith.constant 0 : i32
      %sign3A_43 = arith.cmpi sgt, %select_n3A_39, %sign3A_42 : i32
      %sign3A_44 = arith.extui %sign3A_43 : i1 to i32
      %sign3A_45 = arith.constant 0 : i32
      %sign3A_46 = arith.cmpi slt, %select_n3A_39, %sign3A_45 : i32
      %sign3A_47 = arith.extui %sign3A_46 : i1 to i32
      %sign3A_48 = arith.subi %sign3A_44, %sign3A_47 : i32
      %sign3A_49 = arith.constant 0 : i32
      %sign3A_50 = arith.cmpi sgt, %jit3A_40, %sign3A_49 : i32
      %sign3A_51 = arith.extui %sign3A_50 : i1 to i32
      %sign3A_52 = arith.constant 0 : i32
      %sign3A_53 = arith.cmpi slt, %jit3A_40, %sign3A_52 : i32
      %sign3A_54 = arith.extui %sign3A_53 : i1 to i32
      %sign3A_55 = arith.subi %sign3A_51, %sign3A_54 : i32
      %ne3A_56 = arith.cmpi ne, %sign3A_48, %sign3A_55 : i32
      %rem3A_57 = arith.remsi %select_n3A_39, %jit3A_40 : i32
      %ne3A_58 = arith.constant 0 : i32
      %ne3A_59 = arith.cmpi ne, %rem3A_57, %ne3A_58 : i32
      %and3A_60 = arith.andi %ne3A_56, %ne3A_59 : i1
      %sub3A_61 = arith.constant 1 : i32
      %sub3A_62 = arith.subi %div3A_41, %sub3A_61 : i32
      %select_n3A_63 = arith.select %and3A_60, %sub3A_62, %div3A_41 : i32
      %jit3A_64 = arith.constant 8 : i32
      %eq3A_65 = arith.constant 0 : i32
      %eq3A_66 = arith.cmpi eq, %jit3A_64, %eq3A_65 : i32
      %jit3A_67 = arith.constant 1 : i32
      %select_n3A_68 = arith.select %eq3A_66, %jit3A_67, %jit3A_64 : i32
      %rem3A_69 = arith.remsi %select_n3A_39, %select_n3A_68 : i32
      %ne3A_70 = arith.constant 0 : i32
      %ne3A_71 = arith.cmpi ne, %rem3A_69, %ne3A_70 : i32
      %lt3A_72 = arith.constant 0 : i32
      %lt3A_73 = arith.cmpi slt, %rem3A_69, %lt3A_72 : i32
      %lt3A_74 = arith.constant 0 : i32
      %lt3A_75 = arith.cmpi slt, %select_n3A_68, %lt3A_74 : i32
      %ne3A_76 = arith.xori %lt3A_73, %lt3A_75 : i1
      %and3A_77 = arith.andi %ne3A_76, %ne3A_71 : i1
      %add3A_78 = arith.addi %rem3A_69, %select_n3A_68 : i32
      %select_n3A_79 = arith.select %and3A_77, %add3A_78, %rem3A_69 : i32
      %mul3A_80 = arith.constant 16 : i32
      %mul3A_81 = arith.muli %select_n3A_79, %mul3A_80 : i32
      "tpu.region"() ({
        %run_scoped3A = tpu.sem_alloc : memref<!tpu.dma_semaphore, #tpu.memory_space<semaphore_mem>>
        %dma_start3A_109 = arith.constant 0 : i32
        %dma_start3A_110 = arith.constant 0 : i32
        %dma_start3A_111 = tpu.memref_slice %arg2[%select_n3A, %dma_start3A_109, %select_n3A_63, %dma_start3A_110, %mul3A_81] : memref<4x1024x8x8x128xf32, #tpu.memory_space<hbm>> -> memref<1x512x1x8x16xf32, #tpu.memory_space<hbm>>
        %dma_start3A_112 = tpu.memref_squeeze %dma_start3A_111 : memref<1x512x1x8x16xf32, #tpu.memory_space<hbm>> -> memref<512x8x16xf32, #tpu.memory_space<hbm>>
        %dma_start3A_113 = arith.constant 0 : i32
        %dma_start3A_114 = arith.constant 0 : i32
        %dma_start3A_115 = tpu.memref_slice %arg2[%select_n3A, %dma_start3A_113, %select_n3A_63, %dma_start3A_114, %mul3A_81] : memref<4x1024x8x8x128xf32, #tpu.memory_space<hbm>> -> memref<1x512x1x8x16xf32, #tpu.memory_space<hbm>>
        %dma_start3A_116 = tpu.memref_squeeze %dma_start3A_115 : memref<1x512x1x8x16xf32, #tpu.memory_space<hbm>> -> memref<512x8x16xf32, #tpu.memory_space<hbm>>
        tpu.enqueue_dma source(%dma_start3A_116 : memref<512x8x16xf32, #tpu.memory_space<hbm>>) target(%arg5 : memref<512x8x16xf32, #tpu.memory_space<vmem>>) target_semaphore(%run_scoped3A : memref<!tpu.dma_semaphore, #tpu.memory_space<semaphore_mem>>)
        %dma_wait3A = arith.constant 0 : i32
        %dma_wait3A_117 = arith.constant 0 : i32
        %dma_wait3A_118 = tpu.memref_slice %arg2[%select_n3A, %dma_wait3A, %select_n3A_63, %dma_wait3A_117, %mul3A_81] : memref<4x1024x8x8x128xf32, #tpu.memory_space<hbm>> -> memref<1x512x1x8x16xf32, #tpu.memory_space<hbm>>
        %dma_wait3A_119 = tpu.memref_squeeze %dma_wait3A_118 : memref<1x512x1x8x16xf32, #tpu.memory_space<hbm>> -> memref<512x8x16xf32, #tpu.memory_space<hbm>>
        %dma_wait3A_120 = arith.constant 0 : i32
        %dma_wait3A_121 = arith.constant 0 : i32
        %dma_wait3A_122 = tpu.memref_slice %arg2[%select_n3A, %dma_wait3A_120, %select_n3A_63, %dma_wait3A_121, %mul3A_81] : memref<4x1024x8x8x128xf32, #tpu.memory_space<hbm>> -> memref<1x512x1x8x16xf32, #tpu.memory_space<hbm>>
        %dma_wait3A_123 = tpu.memref_squeeze %dma_wait3A_122 : memref<1x512x1x8x16xf32, #tpu.memory_space<hbm>> -> memref<512x8x16xf32, #tpu.memory_space<hbm>>
        tpu.wait_dma2 semaphore(%run_scoped3A : memref<!tpu.dma_semaphore, #tpu.memory_space<semaphore_mem>>) src(%dma_wait3A_123 : memref<512x8x16xf32, #tpu.memory_space<hbm>>) dst(%arg5 : memref<512x8x16xf32, #tpu.memory_space<vmem>>)
        tpu.yield
      }) : () -> ()
      %dma_start3A = arith.constant 0 : i32
      %dma_start3A_82 = arith.constant 0 : i32
      %dma_start3A_83 = tpu.memref_slice %arg3[%dma_start3A, %select_n3A_63, %dma_start3A_82, %mul3A_81] : memref<2048x8x4x128xi32, #tpu.memory_space<hbm>> -> memref<128x1x4x16xi32, #tpu.memory_space<hbm>>
      %dma_start3A_84 = tpu.memref_squeeze %dma_start3A_83 : memref<128x1x4x16xi32, #tpu.memory_space<hbm>> -> memref<128x4x16xi32, #tpu.memory_space<hbm>>
      %dma_start3A_85 = arith.constant 0 : i32
      %dma_start3A_86 = arith.constant 0 : i32
      %dma_start3A_87 = tpu.memref_slice %arg3[%dma_start3A_85, %select_n3A_63, %dma_start3A_86, %mul3A_81] : memref<2048x8x4x128xi32, #tpu.memory_space<hbm>> -> memref<128x1x4x16xi32, #tpu.memory_space<hbm>>
      %dma_start3A_88 = tpu.memref_squeeze %dma_start3A_87 : memref<128x1x4x16xi32, #tpu.memory_space<hbm>> -> memref<128x4x16xi32, #tpu.memory_space<hbm>>
      tpu.enqueue_dma source(%dma_start3A_88 : memref<128x4x16xi32, #tpu.memory_space<hbm>>) target(%arg7 : memref<128x4x16xi32, #tpu.memory_space<vmem>>) target_semaphore(%arg9 : memref<!tpu.dma_semaphore, #tpu.memory_space<semaphore_mem>>)
      %scan3A_89 = arith.constant 0 : i32
      %scan3A_90 = arith.constant 8 : i32
      %scan3A_91 = arith.addi %scan3A_89, %scan3A_90 : i32
      %scan3A_92 = arith.constant 1 : i32
      scf.for %scan3A_109 = %scan3A_89 to %scan3A_91 step %scan3A_92  : i32 {
        %mul3A_110 = arith.constant 2 : i32
        %mul3A_111 = arith.muli %mul3A_110, %scan3A_109 : i32
        %mul3A_112 = arith.constant 128 : i32
        %mul3A_113 = arith.muli %mul3A_111, %mul3A_112 : i32
        %dma_wait3A = arith.constant 0 : i32
        %dma_wait3A_114 = tpu.memref_slice %arg3[%mul3A_113, %select_n3A_63, %dma_wait3A, %mul3A_81] : memref<2048x8x4x128xi32, #tpu.memory_space<hbm>> -> memref<128x1x4x16xi32, #tpu.memory_space<hbm>>
        %dma_wait3A_115 = tpu.memref_squeeze %dma_wait3A_114 : memref<128x1x4x16xi32, #tpu.memory_space<hbm>> -> memref<128x4x16xi32, #tpu.memory_space<hbm>>
        %dma_wait3A_116 = arith.constant 0 : i32
        %dma_wait3A_117 = tpu.memref_slice %arg3[%mul3A_113, %select_n3A_63, %dma_wait3A_116, %mul3A_81] : memref<2048x8x4x128xi32, #tpu.memory_space<hbm>> -> memref<128x1x4x16xi32, #tpu.memory_space<hbm>>
        %dma_wait3A_118 = tpu.memref_squeeze %dma_wait3A_117 : memref<128x1x4x16xi32, #tpu.memory_space<hbm>> -> memref<128x4x16xi32, #tpu.memory_space<hbm>>
        tpu.wait_dma2 semaphore(%arg9 : memref<!tpu.dma_semaphore, #tpu.memory_space<semaphore_mem>>) src(%dma_wait3A_118 : memref<128x4x16xi32, #tpu.memory_space<hbm>>) dst(%arg7 : memref<128x4x16xi32, #tpu.memory_space<vmem>>)
        %add3A_119 = arith.constant 1 : i32
        %add3A_120 = arith.addi %mul3A_111, %add3A_119 : i32
        %mul3A_121 = arith.constant 128 : i32
        %mul3A_122 = arith.muli %add3A_120, %mul3A_121 : i32
        %dma_start3A_123 = arith.constant 0 : i32
        %dma_start3A_124 = tpu.memref_slice %arg3[%mul3A_122, %select_n3A_63, %dma_start3A_123, %mul3A_81] : memref<2048x8x4x128xi32, #tpu.memory_space<hbm>> -> memref<128x1x4x16xi32, #tpu.memory_space<hbm>>
        %dma_start3A_125 = tpu.memref_squeeze %dma_start3A_124 : memref<128x1x4x16xi32, #tpu.memory_space<hbm>> -> memref<128x4x16xi32, #tpu.memory_space<hbm>>
        %dma_start3A_126 = arith.constant 0 : i32
        %dma_start3A_127 = tpu.memref_slice %arg3[%mul3A_122, %select_n3A_63, %dma_start3A_126, %mul3A_81] : memref<2048x8x4x128xi32, #tpu.memory_space<hbm>> -> memref<128x1x4x16xi32, #tpu.memory_space<hbm>>
        %dma_start3A_128 = tpu.memref_squeeze %dma_start3A_127 : memref<128x1x4x16xi32, #tpu.memory_space<hbm>> -> memref<128x4x16xi32, #tpu.memory_space<hbm>>
        tpu.enqueue_dma source(%dma_start3A_128 : memref<128x4x16xi32, #tpu.memory_space<hbm>>) target(%arg8 : memref<128x4x16xi32, #tpu.memory_space<vmem>>) target_semaphore(%arg10 : memref<!tpu.dma_semaphore, #tpu.memory_space<semaphore_mem>>)
        %parallel_loop3A = arith.constant 0 : i32
        %parallel_loop3A_129 = arith.constant 128 : i32
        %parallel_loop3A_130 = arith.constant 1 : i32
        scf.for %parallel_loop3A_149 = %parallel_loop3A to %parallel_loop3A_129 step %parallel_loop3A_130  : i32 {
          %parallel_loop3A_150 = arith.constant 0 : i32
          %parallel_loop3A_151 = arith.index_cast %parallel_loop3A_149 : i32 to index
          %parallel_loop3A_152 = arith.index_cast %parallel_loop3A_150 : i32 to index
          %parallel_loop3A_153 = arith.constant 0 : index
          %parallel_loop3A_154 = tpu.vector_load %arg7[%parallel_loop3A_151, %parallel_loop3A_152, %parallel_loop3A_153] {strides = array<i32>} : memref<128x4x16xi32, #tpu.memory_space<vmem>>, vector<16xi32>,
          %parallel_loop3A_155 = arith.constant 4096 : i32
          %parallel_loop3A_156 = vector.broadcast %parallel_loop3A_155 : i32 to vector<16xi32>
          %parallel_loop3A_157 = arith.cmpi slt, %parallel_loop3A_154, %parallel_loop3A_156 : vector<16xi32>
          %parallel_loop3A_158 = arith.constant 4095 : i32
          %parallel_loop3A_159 = vector.broadcast %parallel_loop3A_158 : i32 to vector<16xi32>
          %parallel_loop3A_160 = arith.minsi %parallel_loop3A_154, %parallel_loop3A_159 : vector<16xi32>
          %parallel_loop3A_161 = arith.constant 3 : i32
          %parallel_loop3A_162 = vector.broadcast %parallel_loop3A_161 : i32 to vector<16xi32>
          %parallel_loop3A_163 = arith.shrsi %parallel_loop3A_160, %parallel_loop3A_162 : vector<16xi32>
          %parallel_loop3A_164 = arith.constant 7 : i32
          %parallel_loop3A_165 = vector.broadcast %parallel_loop3A_164 : i32 to vector<16xi32>
          %parallel_loop3A_166 = arith.andi %parallel_loop3A_160, %parallel_loop3A_165 : vector<16xi32>
          %parallel_loop3A_167 = tpu.vector_load_idx %arg5[%parallel_loop3A_163, %parallel_loop3A_166, %iota3A] : memref<512x8x16xf32, #tpu.memory_space<vmem>>[vector<16xi32>, vector<16xi32>, vector<16xi32>], vector<16xf32>,
          %parallel_loop3A_168 = arith.select %parallel_loop3A_157, %parallel_loop3A_167, %broadcast_in_dim3A_1 : vector<16xi1>, vector<16xf32>
          %parallel_loop3A_169 = arith.constant 1 : i32
          %parallel_loop3A_170 = arith.index_cast %parallel_loop3A_149 : i32 to index
          %parallel_loop3A_171 = arith.index_cast %parallel_loop3A_169 : i32 to index
          %parallel_loop3A_172 = arith.constant 0 : index
          %parallel_loop3A_173 = tpu.vector_load %arg7[%parallel_loop3A_170, %parallel_loop3A_171, %parallel_loop3A_172] {strides = array<i32>} : memref<128x4x16xi32, #tpu.memory_space<vmem>>, vector<16xi32>,
          %parallel_loop3A_174 = arith.constant 4096 : i32
          %parallel_loop3A_175 = vector.broadcast %parallel_loop3A_174 : i32 to vector<16xi32>
          %parallel_loop3A_176 = arith.cmpi slt, %parallel_loop3A_173, %parallel_loop3A_175 : vector<16xi32>
          %parallel_loop3A_177 = arith.constant 4095 : i32
          %parallel_loop3A_178 = vector.broadcast %parallel_loop3A_177 : i32 to vector<16xi32>
          %parallel_loop3A_179 = arith.minsi %parallel_loop3A_173, %parallel_loop3A_178 : vector<16xi32>
          %parallel_loop3A_180 = arith.constant 3 : i32
          %parallel_loop3A_181 = vector.broadcast %parallel_loop3A_180 : i32 to vector<16xi32>
          %parallel_loop3A_182 = arith.shrsi %parallel_loop3A_179, %parallel_loop3A_181 : vector<16xi32>
          %parallel_loop3A_183 = arith.constant 7 : i32
          %parallel_loop3A_184 = vector.broadcast %parallel_loop3A_183 : i32 to vector<16xi32>
          %parallel_loop3A_185 = arith.andi %parallel_loop3A_179, %parallel_loop3A_184 : vector<16xi32>
          %parallel_loop3A_186 = tpu.vector_load_idx %arg5[%parallel_loop3A_182, %parallel_loop3A_185, %iota3A] : memref<512x8x16xf32, #tpu.memory_space<vmem>>[vector<16xi32>, vector<16xi32>, vector<16xi32>], vector<16xf32>,
          %parallel_loop3A_187 = arith.select %parallel_loop3A_176, %parallel_loop3A_186, %broadcast_in_dim3A_1 : vector<16xi1>, vector<16xf32>
          %parallel_loop3A_188 = arith.maximumf %parallel_loop3A_168, %parallel_loop3A_187 : vector<16xf32>
          %parallel_loop3A_189 = arith.constant 2 : i32
          %parallel_loop3A_190 = arith.index_cast %parallel_loop3A_149 : i32 to index
          %parallel_loop3A_191 = arith.index_cast %parallel_loop3A_189 : i32 to index
          %parallel_loop3A_192 = arith.constant 0 : index
          %parallel_loop3A_193 = tpu.vector_load %arg7[%parallel_loop3A_190, %parallel_loop3A_191, %parallel_loop3A_192] {strides = array<i32>} : memref<128x4x16xi32, #tpu.memory_space<vmem>>, vector<16xi32>,
          %parallel_loop3A_194 = arith.constant 4096 : i32
          %parallel_loop3A_195 = vector.broadcast %parallel_loop3A_194 : i32 to vector<16xi32>
          %parallel_loop3A_196 = arith.cmpi slt, %parallel_loop3A_193, %parallel_loop3A_195 : vector<16xi32>
          %parallel_loop3A_197 = arith.constant 4095 : i32
          %parallel_loop3A_198 = vector.broadcast %parallel_loop3A_197 : i32 to vector<16xi32>
          %parallel_loop3A_199 = arith.minsi %parallel_loop3A_193, %parallel_loop3A_198 : vector<16xi32>
          %parallel_loop3A_200 = arith.constant 3 : i32
          %parallel_loop3A_201 = vector.broadcast %parallel_loop3A_200 : i32 to vector<16xi32>
          %parallel_loop3A_202 = arith.shrsi %parallel_loop3A_199, %parallel_loop3A_201 : vector<16xi32>
          %parallel_loop3A_203 = arith.constant 7 : i32
          %parallel_loop3A_204 = vector.broadcast %parallel_loop3A_203 : i32 to vector<16xi32>
          %parallel_loop3A_205 = arith.andi %parallel_loop3A_199, %parallel_loop3A_204 : vector<16xi32>
          %parallel_loop3A_206 = tpu.vector_load_idx %arg5[%parallel_loop3A_202, %parallel_loop3A_205, %iota3A] : memref<512x8x16xf32, #tpu.memory_space<vmem>>[vector<16xi32>, vector<16xi32>, vector<16xi32>], vector<16xf32>,
          %parallel_loop3A_207 = arith.select %parallel_loop3A_196, %parallel_loop3A_206, %broadcast_in_dim3A_1 : vector<16xi1>, vector<16xf32>
          %parallel_loop3A_208 = arith.maximumf %parallel_loop3A_188, %parallel_loop3A_207 : vector<16xf32>
          %parallel_loop3A_209 = arith.constant 3 : i32
          %parallel_loop3A_210 = arith.index_cast %parallel_loop3A_149 : i32 to index
          %parallel_loop3A_211 = arith.index_cast %parallel_loop3A_209 : i32 to index
          %parallel_loop3A_212 = arith.constant 0 : index
          %parallel_loop3A_213 = tpu.vector_load %arg7[%parallel_loop3A_210, %parallel_loop3A_211, %parallel_loop3A_212] {strides = array<i32>} : memref<128x4x16xi32, #tpu.memory_space<vmem>>, vector<16xi32>,
          %parallel_loop3A_214 = arith.constant 4096 : i32
          %parallel_loop3A_215 = vector.broadcast %parallel_loop3A_214 : i32 to vector<16xi32>
          %parallel_loop3A_216 = arith.cmpi slt, %parallel_loop3A_213, %parallel_loop3A_215 : vector<16xi32>
          %parallel_loop3A_217 = arith.constant 4095 : i32
          %parallel_loop3A_218 = vector.broadcast %parallel_loop3A_217 : i32 to vector<16xi32>
          %parallel_loop3A_219 = arith.minsi %parallel_loop3A_213, %parallel_loop3A_218 : vector<16xi32>
          %parallel_loop3A_220 = arith.constant 3 : i32
          %parallel_loop3A_221 = vector.broadcast %parallel_loop3A_220 : i32 to vector<16xi32>
          %parallel_loop3A_222 = arith.shrsi %parallel_loop3A_219, %parallel_loop3A_221 : vector<16xi32>
          %parallel_loop3A_223 = arith.constant 7 : i32
          %parallel_loop3A_224 = vector.broadcast %parallel_loop3A_223 : i32 to vector<16xi32>
          %parallel_loop3A_225 = arith.andi %parallel_loop3A_219, %parallel_loop3A_224 : vector<16xi32>
          %parallel_loop3A_226 = tpu.vector_load_idx %arg5[%parallel_loop3A_222, %parallel_loop3A_225, %iota3A] : memref<512x8x16xf32, #tpu.memory_space<vmem>>[vector<16xi32>, vector<16xi32>, vector<16xi32>], vector<16xf32>,
          %parallel_loop3A_227 = arith.select %parallel_loop3A_216, %parallel_loop3A_226, %broadcast_in_dim3A_1 : vector<16xi1>, vector<16xf32>
          %parallel_loop3A_228 = arith.maximumf %parallel_loop3A_208, %parallel_loop3A_227 : vector<16xf32>
          %parallel_loop3A_229 = arith.constant 128 : i32
          %parallel_loop3A_230 = arith.muli %mul3A_111, %parallel_loop3A_229 : i32
          %parallel_loop3A_231 = arith.addi %parallel_loop3A_230, %parallel_loop3A_149 : i32
          %parallel_loop3A_232 = arith.index_cast %parallel_loop3A_231 : i32 to index
          %parallel_loop3A_233 = arith.constant 0 : index
          %parallel_loop3A_234 = tpu.vector_load %arg6[%parallel_loop3A_232, %parallel_loop3A_233] {strides = array<i32>} : memref<2048x16xf32, #tpu.memory_space<vmem>>, vector<16xf32>,
          tpu.vector_store %arg6[%parallel_loop3A_232, %parallel_loop3A_233], %parallel_loop3A_228 {strides = array<i32>} : memref<2048x16xf32, #tpu.memory_space<vmem>>, vector<16xf32>,
        } {sc.loop_unroll_factor = 2 : i64, sc.parallel_access}
        %add3A_131 = arith.constant 1 : i32
        %add3A_132 = arith.addi %mul3A_111, %add3A_131 : i32
        %mul3A_133 = arith.constant 128 : i32
        %mul3A_134 = arith.muli %add3A_132, %mul3A_133 : i32
        %dma_wait3A_135 = arith.constant 0 : i32
        %dma_wait3A_136 = tpu.memref_slice %arg3[%mul3A_134, %select_n3A_63, %dma_wait3A_135, %mul3A_81] : memref<2048x8x4x128xi32, #tpu.memory_space<hbm>> -> memref<128x1x4x16xi32, #tpu.memory_space<hbm>>
        %dma_wait3A_137 = tpu.memref_squeeze %dma_wait3A_136 : memref<128x1x4x16xi32, #tpu.memory_space<hbm>> -> memref<128x4x16xi32, #tpu.memory_space<hbm>>
        %dma_wait3A_138 = arith.constant 0 : i32
        %dma_wait3A_139 = tpu.memref_slice %arg3[%mul3A_134, %select_n3A_63, %dma_wait3A_138, %mul3A_81] : memref<2048x8x4x128xi32, #tpu.memory_space<hbm>> -> memref<128x1x4x16xi32, #tpu.memory_space<hbm>>
        %dma_wait3A_140 = tpu.memref_squeeze %dma_wait3A_139 : memref<128x1x4x16xi32, #tpu.memory_space<hbm>> -> memref<128x4x16xi32, #tpu.memory_space<hbm>>
        tpu.wait_dma2 semaphore(%arg10 : memref<!tpu.dma_semaphore, #tpu.memory_space<semaphore_mem>>) src(%dma_wait3A_140 : memref<128x4x16xi32, #tpu.memory_space<hbm>>) dst(%arg8 : memref<128x4x16xi32, #tpu.memory_space<vmem>>)
        %lt3A_141 = arith.constant 7 : i32
        %lt3A_142 = arith.cmpi slt, %scan3A_109, %lt3A_141 : i32
        %convert_element_type3A = arith.extui %lt3A_142 : i1 to i32
        %cond3A = arith.constant 0 : i32
        %cond3A_143 = arith.cmpi ne, %convert_element_type3A, %cond3A : i32
        scf.if %cond3A_143 {
          %add3A_149 = arith.constant 2 : i32
          %add3A_150 = arith.addi %mul3A_111, %add3A_149 : i32
          %mul3A_151 = arith.constant 128 : i32
          %mul3A_152 = arith.muli %add3A_150, %mul3A_151 : i32
          %dma_start3A_153 = arith.constant 0 : i32
          %dma_start3A_154 = tpu.memref_slice %arg3[%mul3A_152, %select_n3A_63, %dma_start3A_153, %mul3A_81] : memref<2048x8x4x128xi32, #tpu.memory_space<hbm>> -> memref<128x1x4x16xi32, #tpu.memory_space<hbm>>
          %dma_start3A_155 = tpu.memref_squeeze %dma_start3A_154 : memref<128x1x4x16xi32, #tpu.memory_space<hbm>> -> memref<128x4x16xi32, #tpu.memory_space<hbm>>
          %dma_start3A_156 = arith.constant 0 : i32
          %dma_start3A_157 = tpu.memref_slice %arg3[%mul3A_152, %select_n3A_63, %dma_start3A_156, %mul3A_81] : memref<2048x8x4x128xi32, #tpu.memory_space<hbm>> -> memref<128x1x4x16xi32, #tpu.memory_space<hbm>>
          %dma_start3A_158 = tpu.memref_squeeze %dma_start3A_157 : memref<128x1x4x16xi32, #tpu.memory_space<hbm>> -> memref<128x4x16xi32, #tpu.memory_space<hbm>>
          tpu.enqueue_dma source(%dma_start3A_158 : memref<128x4x16xi32, #tpu.memory_space<hbm>>) target(%arg7 : memref<128x4x16xi32, #tpu.memory_space<vmem>>) target_semaphore(%arg9 : memref<!tpu.dma_semaphore, #tpu.memory_space<semaphore_mem>>)
        } else {
        }
        %add3A_144 = arith.constant 1 : i32
        %add3A_145 = arith.addi %mul3A_111, %add3A_144 : i32
        %parallel_loop3A_146 = arith.constant 0 : i32
        %parallel_loop3A_147 = arith.constant 128 : i32
        %parallel_loop3A_148 = arith.constant 1 : i32
        scf.for %parallel_loop3A_149 = %parallel_loop3A_146 to %parallel_loop3A_147 step %parallel_loop3A_148  : i32 {
          %parallel_loop3A_150 = arith.constant 0 : i32
          %parallel_loop3A_151 = arith.index_cast %parallel_loop3A_149 : i32 to index
          %parallel_loop3A_152 = arith.index_cast %parallel_loop3A_150 : i32 to index
          %parallel_loop3A_153 = arith.constant 0 : index
          %parallel_loop3A_154 = tpu.vector_load %arg8[%parallel_loop3A_151, %parallel_loop3A_152, %parallel_loop3A_153] {strides = array<i32>} : memref<128x4x16xi32, #tpu.memory_space<vmem>>, vector<16xi32>,
          %parallel_loop3A_155 = arith.constant 4096 : i32
          %parallel_loop3A_156 = vector.broadcast %parallel_loop3A_155 : i32 to vector<16xi32>
          %parallel_loop3A_157 = arith.cmpi slt, %parallel_loop3A_154, %parallel_loop3A_156 : vector<16xi32>
          %parallel_loop3A_158 = arith.constant 4095 : i32
          %parallel_loop3A_159 = vector.broadcast %parallel_loop3A_158 : i32 to vector<16xi32>
          %parallel_loop3A_160 = arith.minsi %parallel_loop3A_154, %parallel_loop3A_159 : vector<16xi32>
          %parallel_loop3A_161 = arith.constant 3 : i32
          %parallel_loop3A_162 = vector.broadcast %parallel_loop3A_161 : i32 to vector<16xi32>
          %parallel_loop3A_163 = arith.shrsi %parallel_loop3A_160, %parallel_loop3A_162 : vector<16xi32>
          %parallel_loop3A_164 = arith.constant 7 : i32
          %parallel_loop3A_165 = vector.broadcast %parallel_loop3A_164 : i32 to vector<16xi32>
          %parallel_loop3A_166 = arith.andi %parallel_loop3A_160, %parallel_loop3A_165 : vector<16xi32>
          %parallel_loop3A_167 = tpu.vector_load_idx %arg5[%parallel_loop3A_163, %parallel_loop3A_166, %iota3A] : memref<512x8x16xf32, #tpu.memory_space<vmem>>[vector<16xi32>, vector<16xi32>, vector<16xi32>], vector<16xf32>,
          %parallel_loop3A_168 = arith.select %parallel_loop3A_157, %parallel_loop3A_167, %broadcast_in_dim3A_1 : vector<16xi1>, vector<16xf32>
          %parallel_loop3A_169 = arith.constant 1 : i32
          %parallel_loop3A_170 = arith.index_cast %parallel_loop3A_149 : i32 to index
          %parallel_loop3A_171 = arith.index_cast %parallel_loop3A_169 : i32 to index
          %parallel_loop3A_172 = arith.constant 0 : index
          %parallel_loop3A_173 = tpu.vector_load %arg8[%parallel_loop3A_170, %parallel_loop3A_171, %parallel_loop3A_172] {strides = array<i32>} : memref<128x4x16xi32, #tpu.memory_space<vmem>>, vector<16xi32>,
          %parallel_loop3A_174 = arith.constant 4096 : i32
          %parallel_loop3A_175 = vector.broadcast %parallel_loop3A_174 : i32 to vector<16xi32>
          %parallel_loop3A_176 = arith.cmpi slt, %parallel_loop3A_173, %parallel_loop3A_175 : vector<16xi32>
          %parallel_loop3A_177 = arith.constant 4095 : i32
          %parallel_loop3A_178 = vector.broadcast %parallel_loop3A_177 : i32 to vector<16xi32>
          %parallel_loop3A_179 = arith.minsi %parallel_loop3A_173, %parallel_loop3A_178 : vector<16xi32>
          %parallel_loop3A_180 = arith.constant 3 : i32
          %parallel_loop3A_181 = vector.broadcast %parallel_loop3A_180 : i32 to vector<16xi32>
          %parallel_loop3A_182 = arith.shrsi %parallel_loop3A_179, %parallel_loop3A_181 : vector<16xi32>
          %parallel_loop3A_183 = arith.constant 7 : i32
          %parallel_loop3A_184 = vector.broadcast %parallel_loop3A_183 : i32 to vector<16xi32>
          %parallel_loop3A_185 = arith.andi %parallel_loop3A_179, %parallel_loop3A_184 : vector<16xi32>
          %parallel_loop3A_186 = tpu.vector_load_idx %arg5[%parallel_loop3A_182, %parallel_loop3A_185, %iota3A] : memref<512x8x16xf32, #tpu.memory_space<vmem>>[vector<16xi32>, vector<16xi32>, vector<16xi32>], vector<16xf32>,
          %parallel_loop3A_187 = arith.select %parallel_loop3A_176, %parallel_loop3A_186, %broadcast_in_dim3A_1 : vector<16xi1>, vector<16xf32>
          %parallel_loop3A_188 = arith.maximumf %parallel_loop3A_168, %parallel_loop3A_187 : vector<16xf32>
          %parallel_loop3A_189 = arith.constant 2 : i32
          %parallel_loop3A_190 = arith.index_cast %parallel_loop3A_149 : i32 to index
          %parallel_loop3A_191 = arith.index_cast %parallel_loop3A_189 : i32 to index
          %parallel_loop3A_192 = arith.constant 0 : index
          %parallel_loop3A_193 = tpu.vector_load %arg8[%parallel_loop3A_190, %parallel_loop3A_191, %parallel_loop3A_192] {strides = array<i32>} : memref<128x4x16xi32, #tpu.memory_space<vmem>>, vector<16xi32>,
          %parallel_loop3A_194 = arith.constant 4096 : i32
          %parallel_loop3A_195 = vector.broadcast %parallel_loop3A_194 : i32 to vector<16xi32>
          %parallel_loop3A_196 = arith.cmpi slt, %parallel_loop3A_193, %parallel_loop3A_195 : vector<16xi32>
          %parallel_loop3A_197 = arith.constant 4095 : i32
          %parallel_loop3A_198 = vector.broadcast %parallel_loop3A_197 : i32 to vector<16xi32>
          %parallel_loop3A_199 = arith.minsi %parallel_loop3A_193, %parallel_loop3A_198 : vector<16xi32>
          %parallel_loop3A_200 = arith.constant 3 : i32
          %parallel_loop3A_201 = vector.broadcast %parallel_loop3A_200 : i32 to vector<16xi32>
          %parallel_loop3A_202 = arith.shrsi %parallel_loop3A_199, %parallel_loop3A_201 : vector<16xi32>
          %parallel_loop3A_203 = arith.constant 7 : i32
          %parallel_loop3A_204 = vector.broadcast %parallel_loop3A_203 : i32 to vector<16xi32>
          %parallel_loop3A_205 = arith.andi %parallel_loop3A_199, %parallel_loop3A_204 : vector<16xi32>
          %parallel_loop3A_206 = tpu.vector_load_idx %arg5[%parallel_loop3A_202, %parallel_loop3A_205, %iota3A] : memref<512x8x16xf32, #tpu.memory_space<vmem>>[vector<16xi32>, vector<16xi32>, vector<16xi32>], vector<16xf32>,
          %parallel_loop3A_207 = arith.select %parallel_loop3A_196, %parallel_loop3A_206, %broadcast_in_dim3A_1 : vector<16xi1>, vector<16xf32>
          %parallel_loop3A_208 = arith.maximumf %parallel_loop3A_188, %parallel_loop3A_207 : vector<16xf32>
          %parallel_loop3A_209 = arith.constant 3 : i32
          %parallel_loop3A_210 = arith.index_cast %parallel_loop3A_149 : i32 to index
          %parallel_loop3A_211 = arith.index_cast %parallel_loop3A_209 : i32 to index
          %parallel_loop3A_212 = arith.constant 0 : index
          %parallel_loop3A_213 = tpu.vector_load %arg8[%parallel_loop3A_210, %parallel_loop3A_211, %parallel_loop3A_212] {strides = array<i32>} : memref<128x4x16xi32, #tpu.memory_space<vmem>>, vector<16xi32>,
          %parallel_loop3A_214 = arith.constant 4096 : i32
          %parallel_loop3A_215 = vector.broadcast %parallel_loop3A_214 : i32 to vector<16xi32>
          %parallel_loop3A_216 = arith.cmpi slt, %parallel_loop3A_213, %parallel_loop3A_215 : vector<16xi32>
          %parallel_loop3A_217 = arith.constant 4095 : i32
          %parallel_loop3A_218 = vector.broadcast %parallel_loop3A_217 : i32 to vector<16xi32>
          %parallel_loop3A_219 = arith.minsi %parallel_loop3A_213, %parallel_loop3A_218 : vector<16xi32>
          %parallel_loop3A_220 = arith.constant 3 : i32
          %parallel_loop3A_221 = vector.broadcast %parallel_loop3A_220 : i32 to vector<16xi32>
          %parallel_loop3A_222 = arith.shrsi %parallel_loop3A_219, %parallel_loop3A_221 : vector<16xi32>
          %parallel_loop3A_223 = arith.constant 7 : i32
          %parallel_loop3A_224 = vector.broadcast %parallel_loop3A_223 : i32 to vector<16xi32>
          %parallel_loop3A_225 = arith.andi %parallel_loop3A_219, %parallel_loop3A_224 : vector<16xi32>
          %parallel_loop3A_226 = tpu.vector_load_idx %arg5[%parallel_loop3A_222, %parallel_loop3A_225, %iota3A] : memref<512x8x16xf32, #tpu.memory_space<vmem>>[vector<16xi32>, vector<16xi32>, vector<16xi32>], vector<16xf32>,
          %parallel_loop3A_227 = arith.select %parallel_loop3A_216, %parallel_loop3A_226, %broadcast_in_dim3A_1 : vector<16xi1>, vector<16xf32>
          %parallel_loop3A_228 = arith.maximumf %parallel_loop3A_208, %parallel_loop3A_227 : vector<16xf32>
          %parallel_loop3A_229 = arith.constant 128 : i32
          %parallel_loop3A_230 = arith.muli %add3A_145, %parallel_loop3A_229 : i32
          %parallel_loop3A_231 = arith.addi %parallel_loop3A_230, %parallel_loop3A_149 : i32
          %parallel_loop3A_232 = arith.index_cast %parallel_loop3A_231 : i32 to index
          %parallel_loop3A_233 = arith.constant 0 : index
          %parallel_loop3A_234 = tpu.vector_load %arg6[%parallel_loop3A_232, %parallel_loop3A_233] {strides = array<i32>} : memref<2048x16xf32, #tpu.memory_space<vmem>>, vector<16xf32>,
          tpu.vector_store %arg6[%parallel_loop3A_232, %parallel_loop3A_233], %parallel_loop3A_228 {strides = array<i32>} : memref<2048x16xf32, #tpu.memory_space<vmem>>, vector<16xf32>,
        } {sc.loop_unroll_factor = 2 : i64, sc.parallel_access}
      }
      %scan3A_93 = arith.constant 8 : i32
      "tpu.region"() ({
        %run_scoped3A = tpu.sem_alloc : memref<!tpu.dma_semaphore, #tpu.memory_space<semaphore_mem>>
        %dma_start3A_109 = arith.constant 512 : i32
        %dma_start3A_110 = arith.constant 0 : i32
        %dma_start3A_111 = tpu.memref_slice %arg2[%select_n3A, %dma_start3A_109, %select_n3A_63, %dma_start3A_110, %mul3A_81] : memref<4x1024x8x8x128xf32, #tpu.memory_space<hbm>> -> memref<1x512x1x8x16xf32, #tpu.memory_space<hbm>>
        %dma_start3A_112 = tpu.memref_squeeze %dma_start3A_111 : memref<1x512x1x8x16xf32, #tpu.memory_space<hbm>> -> memref<512x8x16xf32, #tpu.memory_space<hbm>>
        %dma_start3A_113 = arith.constant 512 : i32
        %dma_start3A_114 = arith.constant 0 : i32
        %dma_start3A_115 = tpu.memref_slice %arg2[%select_n3A, %dma_start3A_113, %select_n3A_63, %dma_start3A_114, %mul3A_81] : memref<4x1024x8x8x128xf32, #tpu.memory_space<hbm>> -> memref<1x512x1x8x16xf32, #tpu.memory_space<hbm>>
        %dma_start3A_116 = tpu.memref_squeeze %dma_start3A_115 : memref<1x512x1x8x16xf32, #tpu.memory_space<hbm>> -> memref<512x8x16xf32, #tpu.memory_space<hbm>>
        tpu.enqueue_dma source(%dma_start3A_116 : memref<512x8x16xf32, #tpu.memory_space<hbm>>) target(%arg5 : memref<512x8x16xf32, #tpu.memory_space<vmem>>) target_semaphore(%run_scoped3A : memref<!tpu.dma_semaphore, #tpu.memory_space<semaphore_mem>>)
        %dma_wait3A = arith.constant 512 : i32
        %dma_wait3A_117 = arith.constant 0 : i32
        %dma_wait3A_118 = tpu.memref_slice %arg2[%select_n3A, %dma_wait3A, %select_n3A_63, %dma_wait3A_117, %mul3A_81] : memref<4x1024x8x8x128xf32, #tpu.memory_space<hbm>> -> memref<1x512x1x8x16xf32, #tpu.memory_space<hbm>>
        %dma_wait3A_119 = tpu.memref_squeeze %dma_wait3A_118 : memref<1x512x1x8x16xf32, #tpu.memory_space<hbm>> -> memref<512x8x16xf32, #tpu.memory_space<hbm>>
        %dma_wait3A_120 = arith.constant 512 : i32
        %dma_wait3A_121 = arith.constant 0 : i32
        %dma_wait3A_122 = tpu.memref_slice %arg2[%select_n3A, %dma_wait3A_120, %select_n3A_63, %dma_wait3A_121, %mul3A_81] : memref<4x1024x8x8x128xf32, #tpu.memory_space<hbm>> -> memref<1x512x1x8x16xf32, #tpu.memory_space<hbm>>
        %dma_wait3A_123 = tpu.memref_squeeze %dma_wait3A_122 : memref<1x512x1x8x16xf32, #tpu.memory_space<hbm>> -> memref<512x8x16xf32, #tpu.memory_space<hbm>>
        tpu.wait_dma2 semaphore(%run_scoped3A : memref<!tpu.dma_semaphore, #tpu.memory_space<semaphore_mem>>) src(%dma_wait3A_123 : memref<512x8x16xf32, #tpu.memory_space<hbm>>) dst(%arg5 : memref<512x8x16xf32, #tpu.memory_space<vmem>>)
        tpu.yield
      }) : () -> ()
      %dma_start3A_94 = arith.constant 0 : i32
      %dma_start3A_95 = arith.constant 0 : i32
      %dma_start3A_96 = tpu.memref_slice %arg3[%dma_start3A_94, %select_n3A_63, %dma_start3A_95, %mul3A_81] : memref<2048x8x4x128xi32, #tpu.memory_space<hbm>> -> memref<128x1x4x16xi32, #tpu.memory_space<hbm>>
      %dma_start3A_97 = tpu.memref_squeeze %dma_start3A_96 : memref<128x1x4x16xi32, #tpu.memory_space<hbm>> -> memref<128x4x16xi32, #tpu.memory_space<hbm>>
      %dma_start3A_98 = arith.constant 0 : i32
      %dma_start3A_99 = arith.constant 0 : i32
      %dma_start3A_100 = tpu.memref_slice %arg3[%dma_start3A_98, %select_n3A_63, %dma_start3A_99, %mul3A_81] : memref<2048x8x4x128xi32, #tpu.memory_space<hbm>> -> memref<128x1x4x16xi32, #tpu.memory_space<hbm>>
      %dma_start3A_101 = tpu.memref_squeeze %dma_start3A_100 : memref<128x1x4x16xi32, #tpu.memory_space<hbm>> -> memref<128x4x16xi32, #tpu.memory_space<hbm>>
      tpu.enqueue_dma source(%dma_start3A_101 : memref<128x4x16xi32, #tpu.memory_space<hbm>>) target(%arg7 : memref<128x4x16xi32, #tpu.memory_space<vmem>>) target_semaphore(%arg9 : memref<!tpu.dma_semaphore, #tpu.memory_space<semaphore_mem>>)
      %scan3A_102 = arith.constant 0 : i32
      %scan3A_103 = arith.constant 8 : i32
      %scan3A_104 = arith.addi %scan3A_102, %scan3A_103 : i32
      %scan3A_105 = arith.constant 1 : i32
      scf.for %scan3A_109 = %scan3A_102 to %scan3A_104 step %scan3A_105  : i32 {
        %mul3A_110 = arith.constant 2 : i32
        %mul3A_111 = arith.muli %mul3A_110, %scan3A_109 : i32
        %mul3A_112 = arith.constant 128 : i32
        %mul3A_113 = arith.muli %mul3A_111, %mul3A_112 : i32
        %dma_wait3A = arith.constant 0 : i32
        %dma_wait3A_114 = tpu.memref_slice %arg3[%mul3A_113, %select_n3A_63, %dma_wait3A, %mul3A_81] : memref<2048x8x4x128xi32, #tpu.memory_space<hbm>> -> memref<128x1x4x16xi32, #tpu.memory_space<hbm>>
        %dma_wait3A_115 = tpu.memref_squeeze %dma_wait3A_114 : memref<128x1x4x16xi32, #tpu.memory_space<hbm>> -> memref<128x4x16xi32, #tpu.memory_space<hbm>>
        %dma_wait3A_116 = arith.constant 0 : i32
        %dma_wait3A_117 = tpu.memref_slice %arg3[%mul3A_113, %select_n3A_63, %dma_wait3A_116, %mul3A_81] : memref<2048x8x4x128xi32, #tpu.memory_space<hbm>> -> memref<128x1x4x16xi32, #tpu.memory_space<hbm>>
        %dma_wait3A_118 = tpu.memref_squeeze %dma_wait3A_117 : memref<128x1x4x16xi32, #tpu.memory_space<hbm>> -> memref<128x4x16xi32, #tpu.memory_space<hbm>>
        tpu.wait_dma2 semaphore(%arg9 : memref<!tpu.dma_semaphore, #tpu.memory_space<semaphore_mem>>) src(%dma_wait3A_118 : memref<128x4x16xi32, #tpu.memory_space<hbm>>) dst(%arg7 : memref<128x4x16xi32, #tpu.memory_space<vmem>>)
        %add3A_119 = arith.constant 1 : i32
        %add3A_120 = arith.addi %mul3A_111, %add3A_119 : i32
        %mul3A_121 = arith.constant 128 : i32
        %mul3A_122 = arith.muli %add3A_120, %mul3A_121 : i32
        %dma_start3A_123 = arith.constant 0 : i32
        %dma_start3A_124 = tpu.memref_slice %arg3[%mul3A_122, %select_n3A_63, %dma_start3A_123, %mul3A_81] : memref<2048x8x4x128xi32, #tpu.memory_space<hbm>> -> memref<128x1x4x16xi32, #tpu.memory_space<hbm>>
        %dma_start3A_125 = tpu.memref_squeeze %dma_start3A_124 : memref<128x1x4x16xi32, #tpu.memory_space<hbm>> -> memref<128x4x16xi32, #tpu.memory_space<hbm>>
        %dma_start3A_126 = arith.constant 0 : i32
        %dma_start3A_127 = tpu.memref_slice %arg3[%mul3A_122, %select_n3A_63, %dma_start3A_126, %mul3A_81] : memref<2048x8x4x128xi32, #tpu.memory_space<hbm>> -> memref<128x1x4x16xi32, #tpu.memory_space<hbm>>
        %dma_start3A_128 = tpu.memref_squeeze %dma_start3A_127 : memref<128x1x4x16xi32, #tpu.memory_space<hbm>> -> memref<128x4x16xi32, #tpu.memory_space<hbm>>
        tpu.enqueue_dma source(%dma_start3A_128 : memref<128x4x16xi32, #tpu.memory_space<hbm>>) target(%arg8 : memref<128x4x16xi32, #tpu.memory_space<vmem>>) target_semaphore(%arg10 : memref<!tpu.dma_semaphore, #tpu.memory_space<semaphore_mem>>)
        %parallel_loop3A = arith.constant 0 : i32
        %parallel_loop3A_129 = arith.constant 128 : i32
        %parallel_loop3A_130 = arith.constant 1 : i32
        scf.for %parallel_loop3A_149 = %parallel_loop3A to %parallel_loop3A_129 step %parallel_loop3A_130  : i32 {
          %parallel_loop3A_150 = arith.constant 0 : i32
          %parallel_loop3A_151 = arith.index_cast %parallel_loop3A_149 : i32 to index
          %parallel_loop3A_152 = arith.index_cast %parallel_loop3A_150 : i32 to index
          %parallel_loop3A_153 = arith.constant 0 : index
          %parallel_loop3A_154 = tpu.vector_load %arg7[%parallel_loop3A_151, %parallel_loop3A_152, %parallel_loop3A_153] {strides = array<i32>} : memref<128x4x16xi32, #tpu.memory_space<vmem>>, vector<16xi32>,
          %parallel_loop3A_155 = arith.constant 4096 : i32
          %parallel_loop3A_156 = vector.broadcast %parallel_loop3A_155 : i32 to vector<16xi32>
          %parallel_loop3A_157 = arith.subi %parallel_loop3A_154, %parallel_loop3A_156 : vector<16xi32>
          %parallel_loop3A_158 = arith.constant 0 : i32
          %parallel_loop3A_159 = vector.broadcast %parallel_loop3A_158 : i32 to vector<16xi32>
          %parallel_loop3A_160 = arith.cmpi sge, %parallel_loop3A_157, %parallel_loop3A_159 : vector<16xi32>
          %parallel_loop3A_161 = arith.constant 0 : i32
          %parallel_loop3A_162 = vector.broadcast %parallel_loop3A_161 : i32 to vector<16xi32>
          %parallel_loop3A_163 = arith.maxsi %parallel_loop3A_157, %parallel_loop3A_162 : vector<16xi32>
          %parallel_loop3A_164 = arith.constant 3 : i32
          %parallel_loop3A_165 = vector.broadcast %parallel_loop3A_164 : i32 to vector<16xi32>
          %parallel_loop3A_166 = arith.shrsi %parallel_loop3A_163, %parallel_loop3A_165 : vector<16xi32>
          %parallel_loop3A_167 = arith.constant 7 : i32
          %parallel_loop3A_168 = vector.broadcast %parallel_loop3A_167 : i32 to vector<16xi32>
          %parallel_loop3A_169 = arith.andi %parallel_loop3A_163, %parallel_loop3A_168 : vector<16xi32>
          %parallel_loop3A_170 = tpu.vector_load_idx %arg5[%parallel_loop3A_166, %parallel_loop3A_169, %iota3A] : memref<512x8x16xf32, #tpu.memory_space<vmem>>[vector<16xi32>, vector<16xi32>, vector<16xi32>], vector<16xf32>,
          %parallel_loop3A_171 = arith.select %parallel_loop3A_160, %parallel_loop3A_170, %broadcast_in_dim3A_1 : vector<16xi1>, vector<16xf32>
          %parallel_loop3A_172 = arith.constant 1 : i32
          %parallel_loop3A_173 = arith.index_cast %parallel_loop3A_149 : i32 to index
          %parallel_loop3A_174 = arith.index_cast %parallel_loop3A_172 : i32 to index
          %parallel_loop3A_175 = arith.constant 0 : index
          %parallel_loop3A_176 = tpu.vector_load %arg7[%parallel_loop3A_173, %parallel_loop3A_174, %parallel_loop3A_175] {strides = array<i32>} : memref<128x4x16xi32, #tpu.memory_space<vmem>>, vector<16xi32>,
          %parallel_loop3A_177 = arith.constant 4096 : i32
          %parallel_loop3A_178 = vector.broadcast %parallel_loop3A_177 : i32 to vector<16xi32>
          %parallel_loop3A_179 = arith.subi %parallel_loop3A_176, %parallel_loop3A_178 : vector<16xi32>
          %parallel_loop3A_180 = arith.constant 0 : i32
          %parallel_loop3A_181 = vector.broadcast %parallel_loop3A_180 : i32 to vector<16xi32>
          %parallel_loop3A_182 = arith.cmpi sge, %parallel_loop3A_179, %parallel_loop3A_181 : vector<16xi32>
          %parallel_loop3A_183 = arith.constant 0 : i32
          %parallel_loop3A_184 = vector.broadcast %parallel_loop3A_183 : i32 to vector<16xi32>
          %parallel_loop3A_185 = arith.maxsi %parallel_loop3A_179, %parallel_loop3A_184 : vector<16xi32>
          %parallel_loop3A_186 = arith.constant 3 : i32
          %parallel_loop3A_187 = vector.broadcast %parallel_loop3A_186 : i32 to vector<16xi32>
          %parallel_loop3A_188 = arith.shrsi %parallel_loop3A_185, %parallel_loop3A_187 : vector<16xi32>
          %parallel_loop3A_189 = arith.constant 7 : i32
          %parallel_loop3A_190 = vector.broadcast %parallel_loop3A_189 : i32 to vector<16xi32>
          %parallel_loop3A_191 = arith.andi %parallel_loop3A_185, %parallel_loop3A_190 : vector<16xi32>
          %parallel_loop3A_192 = tpu.vector_load_idx %arg5[%parallel_loop3A_188, %parallel_loop3A_191, %iota3A] : memref<512x8x16xf32, #tpu.memory_space<vmem>>[vector<16xi32>, vector<16xi32>, vector<16xi32>], vector<16xf32>,
          %parallel_loop3A_193 = arith.select %parallel_loop3A_182, %parallel_loop3A_192, %broadcast_in_dim3A_1 : vector<16xi1>, vector<16xf32>
          %parallel_loop3A_194 = arith.maximumf %parallel_loop3A_171, %parallel_loop3A_193 : vector<16xf32>
          %parallel_loop3A_195 = arith.constant 2 : i32
          %parallel_loop3A_196 = arith.index_cast %parallel_loop3A_149 : i32 to index
          %parallel_loop3A_197 = arith.index_cast %parallel_loop3A_195 : i32 to index
          %parallel_loop3A_198 = arith.constant 0 : index
          %parallel_loop3A_199 = tpu.vector_load %arg7[%parallel_loop3A_196, %parallel_loop3A_197, %parallel_loop3A_198] {strides = array<i32>} : memref<128x4x16xi32, #tpu.memory_space<vmem>>, vector<16xi32>,
          %parallel_loop3A_200 = arith.constant 4096 : i32
          %parallel_loop3A_201 = vector.broadcast %parallel_loop3A_200 : i32 to vector<16xi32>
          %parallel_loop3A_202 = arith.subi %parallel_loop3A_199, %parallel_loop3A_201 : vector<16xi32>
          %parallel_loop3A_203 = arith.constant 0 : i32
          %parallel_loop3A_204 = vector.broadcast %parallel_loop3A_203 : i32 to vector<16xi32>
          %parallel_loop3A_205 = arith.cmpi sge, %parallel_loop3A_202, %parallel_loop3A_204 : vector<16xi32>
          %parallel_loop3A_206 = arith.constant 0 : i32
          %parallel_loop3A_207 = vector.broadcast %parallel_loop3A_206 : i32 to vector<16xi32>
          %parallel_loop3A_208 = arith.maxsi %parallel_loop3A_202, %parallel_loop3A_207 : vector<16xi32>
          %parallel_loop3A_209 = arith.constant 3 : i32
          %parallel_loop3A_210 = vector.broadcast %parallel_loop3A_209 : i32 to vector<16xi32>
          %parallel_loop3A_211 = arith.shrsi %parallel_loop3A_208, %parallel_loop3A_210 : vector<16xi32>
          %parallel_loop3A_212 = arith.constant 7 : i32
          %parallel_loop3A_213 = vector.broadcast %parallel_loop3A_212 : i32 to vector<16xi32>
          %parallel_loop3A_214 = arith.andi %parallel_loop3A_208, %parallel_loop3A_213 : vector<16xi32>
          %parallel_loop3A_215 = tpu.vector_load_idx %arg5[%parallel_loop3A_211, %parallel_loop3A_214, %iota3A] : memref<512x8x16xf32, #tpu.memory_space<vmem>>[vector<16xi32>, vector<16xi32>, vector<16xi32>], vector<16xf32>,
          %parallel_loop3A_216 = arith.select %parallel_loop3A_205, %parallel_loop3A_215, %broadcast_in_dim3A_1 : vector<16xi1>, vector<16xf32>
          %parallel_loop3A_217 = arith.maximumf %parallel_loop3A_194, %parallel_loop3A_216 : vector<16xf32>
          %parallel_loop3A_218 = arith.constant 3 : i32
          %parallel_loop3A_219 = arith.index_cast %parallel_loop3A_149 : i32 to index
          %parallel_loop3A_220 = arith.index_cast %parallel_loop3A_218 : i32 to index
          %parallel_loop3A_221 = arith.constant 0 : index
          %parallel_loop3A_222 = tpu.vector_load %arg7[%parallel_loop3A_219, %parallel_loop3A_220, %parallel_loop3A_221] {strides = array<i32>} : memref<128x4x16xi32, #tpu.memory_space<vmem>>, vector<16xi32>,
          %parallel_loop3A_223 = arith.constant 4096 : i32
          %parallel_loop3A_224 = vector.broadcast %parallel_loop3A_223 : i32 to vector<16xi32>
          %parallel_loop3A_225 = arith.subi %parallel_loop3A_222, %parallel_loop3A_224 : vector<16xi32>
          %parallel_loop3A_226 = arith.constant 0 : i32
          %parallel_loop3A_227 = vector.broadcast %parallel_loop3A_226 : i32 to vector<16xi32>
          %parallel_loop3A_228 = arith.cmpi sge, %parallel_loop3A_225, %parallel_loop3A_227 : vector<16xi32>
          %parallel_loop3A_229 = arith.constant 0 : i32
          %parallel_loop3A_230 = vector.broadcast %parallel_loop3A_229 : i32 to vector<16xi32>
          %parallel_loop3A_231 = arith.maxsi %parallel_loop3A_225, %parallel_loop3A_230 : vector<16xi32>
          %parallel_loop3A_232 = arith.constant 3 : i32
          %parallel_loop3A_233 = vector.broadcast %parallel_loop3A_232 : i32 to vector<16xi32>
          %parallel_loop3A_234 = arith.shrsi %parallel_loop3A_231, %parallel_loop3A_233 : vector<16xi32>
          %parallel_loop3A_235 = arith.constant 7 : i32
          %parallel_loop3A_236 = vector.broadcast %parallel_loop3A_235 : i32 to vector<16xi32>
          %parallel_loop3A_237 = arith.andi %parallel_loop3A_231, %parallel_loop3A_236 : vector<16xi32>
          %parallel_loop3A_238 = tpu.vector_load_idx %arg5[%parallel_loop3A_234, %parallel_loop3A_237, %iota3A] : memref<512x8x16xf32, #tpu.memory_space<vmem>>[vector<16xi32>, vector<16xi32>, vector<16xi32>], vector<16xf32>,
          %parallel_loop3A_239 = arith.select %parallel_loop3A_228, %parallel_loop3A_238, %broadcast_in_dim3A_1 : vector<16xi1>, vector<16xf32>
          %parallel_loop3A_240 = arith.maximumf %parallel_loop3A_217, %parallel_loop3A_239 : vector<16xf32>
          %parallel_loop3A_241 = arith.constant 128 : i32
          %parallel_loop3A_242 = arith.muli %mul3A_111, %parallel_loop3A_241 : i32
          %parallel_loop3A_243 = arith.addi %parallel_loop3A_242, %parallel_loop3A_149 : i32
          %parallel_loop3A_244 = arith.index_cast %parallel_loop3A_243 : i32 to index
          %parallel_loop3A_245 = arith.constant 0 : index
          %parallel_loop3A_246 = tpu.vector_load %arg6[%parallel_loop3A_244, %parallel_loop3A_245] {strides = array<i32>} : memref<2048x16xf32, #tpu.memory_space<vmem>>, vector<16xf32>,
          %parallel_loop3A_247 = arith.maximumf %parallel_loop3A_246, %parallel_loop3A_240 : vector<16xf32>
          %parallel_loop3A_248 = arith.index_cast %parallel_loop3A_243 : i32 to index
          %parallel_loop3A_249 = arith.constant 0 : index
          %parallel_loop3A_250 = tpu.vector_load %arg6[%parallel_loop3A_248, %parallel_loop3A_249] {strides = array<i32>} : memref<2048x16xf32, #tpu.memory_space<vmem>>, vector<16xf32>,
          tpu.vector_store %arg6[%parallel_loop3A_248, %parallel_loop3A_249], %parallel_loop3A_247 {strides = array<i32>} : memref<2048x16xf32, #tpu.memory_space<vmem>>, vector<16xf32>,
        } {sc.loop_unroll_factor = 2 : i64, sc.parallel_access}
        %add3A_131 = arith.constant 1 : i32
        %add3A_132 = arith.addi %mul3A_111, %add3A_131 : i32
        %mul3A_133 = arith.constant 128 : i32
        %mul3A_134 = arith.muli %add3A_132, %mul3A_133 : i32
        %dma_wait3A_135 = arith.constant 0 : i32
        %dma_wait3A_136 = tpu.memref_slice %arg3[%mul3A_134, %select_n3A_63, %dma_wait3A_135, %mul3A_81] : memref<2048x8x4x128xi32, #tpu.memory_space<hbm>> -> memref<128x1x4x16xi32, #tpu.memory_space<hbm>>
        %dma_wait3A_137 = tpu.memref_squeeze %dma_wait3A_136 : memref<128x1x4x16xi32, #tpu.memory_space<hbm>> -> memref<128x4x16xi32, #tpu.memory_space<hbm>>
        %dma_wait3A_138 = arith.constant 0 : i32
        %dma_wait3A_139 = tpu.memref_slice %arg3[%mul3A_134, %select_n3A_63, %dma_wait3A_138, %mul3A_81] : memref<2048x8x4x128xi32, #tpu.memory_space<hbm>> -> memref<128x1x4x16xi32, #tpu.memory_space<hbm>>
        %dma_wait3A_140 = tpu.memref_squeeze %dma_wait3A_139 : memref<128x1x4x16xi32, #tpu.memory_space<hbm>> -> memref<128x4x16xi32, #tpu.memory_space<hbm>>
        tpu.wait_dma2 semaphore(%arg10 : memref<!tpu.dma_semaphore, #tpu.memory_space<semaphore_mem>>) src(%dma_wait3A_140 : memref<128x4x16xi32, #tpu.memory_space<hbm>>) dst(%arg8 : memref<128x4x16xi32, #tpu.memory_space<vmem>>)
        %lt3A_141 = arith.constant 7 : i32
        %lt3A_142 = arith.cmpi slt, %scan3A_109, %lt3A_141 : i32
        %convert_element_type3A = arith.extui %lt3A_142 : i1 to i32
        %cond3A = arith.constant 0 : i32
        %cond3A_143 = arith.cmpi ne, %convert_element_type3A, %cond3A : i32
        scf.if %cond3A_143 {
          %add3A_149 = arith.constant 2 : i32
          %add3A_150 = arith.addi %mul3A_111, %add3A_149 : i32
          %mul3A_151 = arith.constant 128 : i32
          %mul3A_152 = arith.muli %add3A_150, %mul3A_151 : i32
          %dma_start3A_153 = arith.constant 0 : i32
          %dma_start3A_154 = tpu.memref_slice %arg3[%mul3A_152, %select_n3A_63, %dma_start3A_153, %mul3A_81] : memref<2048x8x4x128xi32, #tpu.memory_space<hbm>> -> memref<128x1x4x16xi32, #tpu.memory_space<hbm>>
          %dma_start3A_155 = tpu.memref_squeeze %dma_start3A_154 : memref<128x1x4x16xi32, #tpu.memory_space<hbm>> -> memref<128x4x16xi32, #tpu.memory_space<hbm>>
          %dma_start3A_156 = arith.constant 0 : i32
          %dma_start3A_157 = tpu.memref_slice %arg3[%mul3A_152, %select_n3A_63, %dma_start3A_156, %mul3A_81] : memref<2048x8x4x128xi32, #tpu.memory_space<hbm>> -> memref<128x1x4x16xi32, #tpu.memory_space<hbm>>
          %dma_start3A_158 = tpu.memref_squeeze %dma_start3A_157 : memref<128x1x4x16xi32, #tpu.memory_space<hbm>> -> memref<128x4x16xi32, #tpu.memory_space<hbm>>
          tpu.enqueue_dma source(%dma_start3A_158 : memref<128x4x16xi32, #tpu.memory_space<hbm>>) target(%arg7 : memref<128x4x16xi32, #tpu.memory_space<vmem>>) target_semaphore(%arg9 : memref<!tpu.dma_semaphore, #tpu.memory_space<semaphore_mem>>)
        } else {
        }
        %add3A_144 = arith.constant 1 : i32
        %add3A_145 = arith.addi %mul3A_111, %add3A_144 : i32
        %parallel_loop3A_146 = arith.constant 0 : i32
        %parallel_loop3A_147 = arith.constant 128 : i32
        %parallel_loop3A_148 = arith.constant 1 : i32
        scf.for %parallel_loop3A_149 = %parallel_loop3A_146 to %parallel_loop3A_147 step %parallel_loop3A_148  : i32 {
          %parallel_loop3A_150 = arith.constant 0 : i32
          %parallel_loop3A_151 = arith.index_cast %parallel_loop3A_149 : i32 to index
          %parallel_loop3A_152 = arith.index_cast %parallel_loop3A_150 : i32 to index
          %parallel_loop3A_153 = arith.constant 0 : index
          %parallel_loop3A_154 = tpu.vector_load %arg8[%parallel_loop3A_151, %parallel_loop3A_152, %parallel_loop3A_153] {strides = array<i32>} : memref<128x4x16xi32, #tpu.memory_space<vmem>>, vector<16xi32>,
          %parallel_loop3A_155 = arith.constant 4096 : i32
          %parallel_loop3A_156 = vector.broadcast %parallel_loop3A_155 : i32 to vector<16xi32>
          %parallel_loop3A_157 = arith.subi %parallel_loop3A_154, %parallel_loop3A_156 : vector<16xi32>
          %parallel_loop3A_158 = arith.constant 0 : i32
          %parallel_loop3A_159 = vector.broadcast %parallel_loop3A_158 : i32 to vector<16xi32>
          %parallel_loop3A_160 = arith.cmpi sge, %parallel_loop3A_157, %parallel_loop3A_159 : vector<16xi32>
          %parallel_loop3A_161 = arith.constant 0 : i32
          %parallel_loop3A_162 = vector.broadcast %parallel_loop3A_161 : i32 to vector<16xi32>
          %parallel_loop3A_163 = arith.maxsi %parallel_loop3A_157, %parallel_loop3A_162 : vector<16xi32>
          %parallel_loop3A_164 = arith.constant 3 : i32
          %parallel_loop3A_165 = vector.broadcast %parallel_loop3A_164 : i32 to vector<16xi32>
          %parallel_loop3A_166 = arith.shrsi %parallel_loop3A_163, %parallel_loop3A_165 : vector<16xi32>
          %parallel_loop3A_167 = arith.constant 7 : i32
          %parallel_loop3A_168 = vector.broadcast %parallel_loop3A_167 : i32 to vector<16xi32>
          %parallel_loop3A_169 = arith.andi %parallel_loop3A_163, %parallel_loop3A_168 : vector<16xi32>
          %parallel_loop3A_170 = tpu.vector_load_idx %arg5[%parallel_loop3A_166, %parallel_loop3A_169, %iota3A] : memref<512x8x16xf32, #tpu.memory_space<vmem>>[vector<16xi32>, vector<16xi32>, vector<16xi32>], vector<16xf32>,
          %parallel_loop3A_171 = arith.select %parallel_loop3A_160, %parallel_loop3A_170, %broadcast_in_dim3A_1 : vector<16xi1>, vector<16xf32>
          %parallel_loop3A_172 = arith.constant 1 : i32
          %parallel_loop3A_173 = arith.index_cast %parallel_loop3A_149 : i32 to index
          %parallel_loop3A_174 = arith.index_cast %parallel_loop3A_172 : i32 to index
          %parallel_loop3A_175 = arith.constant 0 : index
          %parallel_loop3A_176 = tpu.vector_load %arg8[%parallel_loop3A_173, %parallel_loop3A_174, %parallel_loop3A_175] {strides = array<i32>} : memref<128x4x16xi32, #tpu.memory_space<vmem>>, vector<16xi32>,
          %parallel_loop3A_177 = arith.constant 4096 : i32
          %parallel_loop3A_178 = vector.broadcast %parallel_loop3A_177 : i32 to vector<16xi32>
          %parallel_loop3A_179 = arith.subi %parallel_loop3A_176, %parallel_loop3A_178 : vector<16xi32>
          %parallel_loop3A_180 = arith.constant 0 : i32
          %parallel_loop3A_181 = vector.broadcast %parallel_loop3A_180 : i32 to vector<16xi32>
          %parallel_loop3A_182 = arith.cmpi sge, %parallel_loop3A_179, %parallel_loop3A_181 : vector<16xi32>
          %parallel_loop3A_183 = arith.constant 0 : i32
          %parallel_loop3A_184 = vector.broadcast %parallel_loop3A_183 : i32 to vector<16xi32>
          %parallel_loop3A_185 = arith.maxsi %parallel_loop3A_179, %parallel_loop3A_184 : vector<16xi32>
          %parallel_loop3A_186 = arith.constant 3 : i32
          %parallel_loop3A_187 = vector.broadcast %parallel_loop3A_186 : i32 to vector<16xi32>
          %parallel_loop3A_188 = arith.shrsi %parallel_loop3A_185, %parallel_loop3A_187 : vector<16xi32>
          %parallel_loop3A_189 = arith.constant 7 : i32
          %parallel_loop3A_190 = vector.broadcast %parallel_loop3A_189 : i32 to vector<16xi32>
          %parallel_loop3A_191 = arith.andi %parallel_loop3A_185, %parallel_loop3A_190 : vector<16xi32>
          %parallel_loop3A_192 = tpu.vector_load_idx %arg5[%parallel_loop3A_188, %parallel_loop3A_191, %iota3A] : memref<512x8x16xf32, #tpu.memory_space<vmem>>[vector<16xi32>, vector<16xi32>, vector<16xi32>], vector<16xf32>,
          %parallel_loop3A_193 = arith.select %parallel_loop3A_182, %parallel_loop3A_192, %broadcast_in_dim3A_1 : vector<16xi1>, vector<16xf32>
          %parallel_loop3A_194 = arith.maximumf %parallel_loop3A_171, %parallel_loop3A_193 : vector<16xf32>
          %parallel_loop3A_195 = arith.constant 2 : i32
          %parallel_loop3A_196 = arith.index_cast %parallel_loop3A_149 : i32 to index
          %parallel_loop3A_197 = arith.index_cast %parallel_loop3A_195 : i32 to index
          %parallel_loop3A_198 = arith.constant 0 : index
          %parallel_loop3A_199 = tpu.vector_load %arg8[%parallel_loop3A_196, %parallel_loop3A_197, %parallel_loop3A_198] {strides = array<i32>} : memref<128x4x16xi32, #tpu.memory_space<vmem>>, vector<16xi32>,
          %parallel_loop3A_200 = arith.constant 4096 : i32
          %parallel_loop3A_201 = vector.broadcast %parallel_loop3A_200 : i32 to vector<16xi32>
          %parallel_loop3A_202 = arith.subi %parallel_loop3A_199, %parallel_loop3A_201 : vector<16xi32>
          %parallel_loop3A_203 = arith.constant 0 : i32
          %parallel_loop3A_204 = vector.broadcast %parallel_loop3A_203 : i32 to vector<16xi32>
          %parallel_loop3A_205 = arith.cmpi sge, %parallel_loop3A_202, %parallel_loop3A_204 : vector<16xi32>
          %parallel_loop3A_206 = arith.constant 0 : i32
          %parallel_loop3A_207 = vector.broadcast %parallel_loop3A_206 : i32 to vector<16xi32>
          %parallel_loop3A_208 = arith.maxsi %parallel_loop3A_202, %parallel_loop3A_207 : vector<16xi32>
          %parallel_loop3A_209 = arith.constant 3 : i32
          %parallel_loop3A_210 = vector.broadcast %parallel_loop3A_209 : i32 to vector<16xi32>
          %parallel_loop3A_211 = arith.shrsi %parallel_loop3A_208, %parallel_loop3A_210 : vector<16xi32>
          %parallel_loop3A_212 = arith.constant 7 : i32
          %parallel_loop3A_213 = vector.broadcast %parallel_loop3A_212 : i32 to vector<16xi32>
          %parallel_loop3A_214 = arith.andi %parallel_loop3A_208, %parallel_loop3A_213 : vector<16xi32>
          %parallel_loop3A_215 = tpu.vector_load_idx %arg5[%parallel_loop3A_211, %parallel_loop3A_214, %iota3A] : memref<512x8x16xf32, #tpu.memory_space<vmem>>[vector<16xi32>, vector<16xi32>, vector<16xi32>], vector<16xf32>,
          %parallel_loop3A_216 = arith.select %parallel_loop3A_205, %parallel_loop3A_215, %broadcast_in_dim3A_1 : vector<16xi1>, vector<16xf32>
          %parallel_loop3A_217 = arith.maximumf %parallel_loop3A_194, %parallel_loop3A_216 : vector<16xf32>
          %parallel_loop3A_218 = arith.constant 3 : i32
          %parallel_loop3A_219 = arith.index_cast %parallel_loop3A_149 : i32 to index
          %parallel_loop3A_220 = arith.index_cast %parallel_loop3A_218 : i32 to index
          %parallel_loop3A_221 = arith.constant 0 : index
          %parallel_loop3A_222 = tpu.vector_load %arg8[%parallel_loop3A_219, %parallel_loop3A_220, %parallel_loop3A_221] {strides = array<i32>} : memref<128x4x16xi32, #tpu.memory_space<vmem>>, vector<16xi32>,
          %parallel_loop3A_223 = arith.constant 4096 : i32
          %parallel_loop3A_224 = vector.broadcast %parallel_loop3A_223 : i32 to vector<16xi32>
          %parallel_loop3A_225 = arith.subi %parallel_loop3A_222, %parallel_loop3A_224 : vector<16xi32>
          %parallel_loop3A_226 = arith.constant 0 : i32
          %parallel_loop3A_227 = vector.broadcast %parallel_loop3A_226 : i32 to vector<16xi32>
          %parallel_loop3A_228 = arith.cmpi sge, %parallel_loop3A_225, %parallel_loop3A_227 : vector<16xi32>
          %parallel_loop3A_229 = arith.constant 0 : i32
          %parallel_loop3A_230 = vector.broadcast %parallel_loop3A_229 : i32 to vector<16xi32>
          %parallel_loop3A_231 = arith.maxsi %parallel_loop3A_225, %parallel_loop3A_230 : vector<16xi32>
          %parallel_loop3A_232 = arith.constant 3 : i32
          %parallel_loop3A_233 = vector.broadcast %parallel_loop3A_232 : i32 to vector<16xi32>
          %parallel_loop3A_234 = arith.shrsi %parallel_loop3A_231, %parallel_loop3A_233 : vector<16xi32>
          %parallel_loop3A_235 = arith.constant 7 : i32
          %parallel_loop3A_236 = vector.broadcast %parallel_loop3A_235 : i32 to vector<16xi32>
          %parallel_loop3A_237 = arith.andi %parallel_loop3A_231, %parallel_loop3A_236 : vector<16xi32>
          %parallel_loop3A_238 = tpu.vector_load_idx %arg5[%parallel_loop3A_234, %parallel_loop3A_237, %iota3A] : memref<512x8x16xf32, #tpu.memory_space<vmem>>[vector<16xi32>, vector<16xi32>, vector<16xi32>], vector<16xf32>,
          %parallel_loop3A_239 = arith.select %parallel_loop3A_228, %parallel_loop3A_238, %broadcast_in_dim3A_1 : vector<16xi1>, vector<16xf32>
          %parallel_loop3A_240 = arith.maximumf %parallel_loop3A_217, %parallel_loop3A_239 : vector<16xf32>
          %parallel_loop3A_241 = arith.constant 128 : i32
          %parallel_loop3A_242 = arith.muli %add3A_145, %parallel_loop3A_241 : i32
          %parallel_loop3A_243 = arith.addi %parallel_loop3A_242, %parallel_loop3A_149 : i32
          %parallel_loop3A_244 = arith.index_cast %parallel_loop3A_243 : i32 to index
          %parallel_loop3A_245 = arith.constant 0 : index
          %parallel_loop3A_246 = tpu.vector_load %arg6[%parallel_loop3A_244, %parallel_loop3A_245] {strides = array<i32>} : memref<2048x16xf32, #tpu.memory_space<vmem>>, vector<16xf32>,
          %parallel_loop3A_247 = arith.maximumf %parallel_loop3A_246, %parallel_loop3A_240 : vector<16xf32>
          %parallel_loop3A_248 = arith.index_cast %parallel_loop3A_243 : i32 to index
          %parallel_loop3A_249 = arith.constant 0 : index
          %parallel_loop3A_250 = tpu.vector_load %arg6[%parallel_loop3A_248, %parallel_loop3A_249] {strides = array<i32>} : memref<2048x16xf32, #tpu.memory_space<vmem>>, vector<16xf32>,
          tpu.vector_store %arg6[%parallel_loop3A_248, %parallel_loop3A_249], %parallel_loop3A_247 {strides = array<i32>} : memref<2048x16xf32, #tpu.memory_space<vmem>>, vector<16xf32>,
        } {sc.loop_unroll_factor = 2 : i64, sc.parallel_access}
      }
      %scan3A_106 = arith.constant 8 : i32
      %mul3A_107 = arith.constant 16 : i32
      %mul3A_108 = arith.muli %select_n3A_39, %mul3A_107 : i32
      "tpu.region"() ({
        %run_scoped3A = tpu.sem_alloc : memref<!tpu.dma_semaphore, #tpu.memory_space<semaphore_mem>>
        %dma_start3A_109 = arith.constant 0 : i32
        %dma_start3A_110 = tpu.memref_slice %arg4[%select_n3A, %dma_start3A_109, %mul3A_108] : memref<4x2048x1024xf32, #tpu.memory_space<hbm>> -> memref<1x2048x16xf32, #tpu.memory_space<hbm>>
        %dma_start3A_111 = tpu.memref_squeeze %dma_start3A_110 : memref<1x2048x16xf32, #tpu.memory_space<hbm>> -> memref<2048x16xf32, #tpu.memory_space<hbm>>
        %dma_start3A_112 = arith.constant 0 : i32
        %dma_start3A_113 = tpu.memref_slice %arg4[%select_n3A, %dma_start3A_112, %mul3A_108] : memref<4x2048x1024xf32, #tpu.memory_space<hbm>> -> memref<1x2048x16xf32, #tpu.memory_space<hbm>>
        %dma_start3A_114 = tpu.memref_squeeze %dma_start3A_113 : memref<1x2048x16xf32, #tpu.memory_space<hbm>> -> memref<2048x16xf32, #tpu.memory_space<hbm>>
        tpu.enqueue_dma source(%arg6 : memref<2048x16xf32, #tpu.memory_space<vmem>>) target(%dma_start3A_114 : memref<2048x16xf32, #tpu.memory_space<hbm>>) target_semaphore(%run_scoped3A : memref<!tpu.dma_semaphore, #tpu.memory_space<semaphore_mem>>)
        %dma_wait3A = arith.constant 0 : i32
        %dma_wait3A_115 = tpu.memref_slice %arg4[%select_n3A, %dma_wait3A, %mul3A_108] : memref<4x2048x1024xf32, #tpu.memory_space<hbm>> -> memref<1x2048x16xf32, #tpu.memory_space<hbm>>
        %dma_wait3A_116 = tpu.memref_squeeze %dma_wait3A_115 : memref<1x2048x16xf32, #tpu.memory_space<hbm>> -> memref<2048x16xf32, #tpu.memory_space<hbm>>
        %dma_wait3A_117 = arith.constant 0 : i32
        %dma_wait3A_118 = tpu.memref_slice %arg4[%select_n3A, %dma_wait3A_117, %mul3A_108] : memref<4x2048x1024xf32, #tpu.memory_space<hbm>> -> memref<1x2048x16xf32, #tpu.memory_space<hbm>>
        %dma_wait3A_119 = tpu.memref_squeeze %dma_wait3A_118 : memref<1x2048x16xf32, #tpu.memory_space<hbm>> -> memref<2048x16xf32, #tpu.memory_space<hbm>>
        tpu.wait_dma2 semaphore(%run_scoped3A : memref<!tpu.dma_semaphore, #tpu.memory_space<semaphore_mem>>) src(%arg6 : memref<2048x16xf32, #tpu.memory_space<vmem>>) dst(%dma_wait3A_119 : memref<2048x16xf32, #tpu.memory_space<hbm>>)
        tpu.yield
      }) : () -> ()
    }
    %scan3A_5 = arith.constant 8 : i32
    return
  }
}

</mosaic_0001>

<sc_bundles>
// kernel: kernel.3.cloned.1.call-start
scs
__scs_entry_jumppad:
0x0: {  	(pc) =	sbr.rel $0x88, $3  }
0x1: {  	(tag) =	ssettag $0x0;
	lr =	simm.s32 $0x1  }
0x2: {  	[smem:$0x3F9F] =	sst lr;
	_ =	strace $0xD0000000  }
0x3: {  	_ = 	snop  }
0x4: {  	_ = 	snop  }
0x5: {  	_ = 	snop  }
0x6: {  	_ = 	snop  }
0x7: {  	_ = 	snop  }
__scs_overlays_trampoline_lowered:
0x8: {  	[smem:$0x3FAE] =	sst s0  }
0x9: {  	[smem:$0x3FAF] =	sst s1  }
0xa: {  	[smem:$0x3FB0] =	sst s2  }
0xb: {  	[smem:$0x3FB1] =	sst s3  }
0xc: {  	[smem:$0x3FB2] =	sst s4  }
0xd: {  	[smem:$0x3FB3] =	sst s5  }
0xe: {  	[smem:$0x3FB4] =	sst s6  }
0xf: {  	[smem:$0x3FB5] =	sst s7  }
0x10: {  	[smem:$0x3FB6] =	sst s8  }
0x11: {  	[smem:$0x3FB7] =	sst s9;
	s0 =	simm.s32 @!p0 $0x0  }
0x12: {  	s1 =	sld [smem:$0x3F9D];
	s0 =	simm.s32 @p0 $0x1  }
0x13: {  	[smem:$0x3FB8] =	sst s0;
	s0 =	simm.s32 @!p1 $0x0  }
0x14: {  	s2 =	sld [smem:$0x3F9C];
	s0 =	simm.s32 @p1 $0x1  }
0x15: {  	[smem:$0x3FB9] =	sst s0;
	s0 =	simm.s32 @!p2 $0x0  }
0x16: {  	s3 =	sld [smem:$0x3FDB];
	s0 =	simm.s32 @p2 $0x1  }
0x17: {  	s4 =	simm.s32 $0x1BF5;
	[smem:$0x3FBB] =	sst s0  }
0x18: {  	s0 =	sld [smem:$0x3F9E];
	_ =	swait.ge [sflag:s4], $0x0  }
0x19: {  	s7 =	sld [smem:$0x3F9F]  }
0x1a: {  	s8 =	sadd.s32 $0xFFFFE003, lr  }
0x1b: {  	s9 =	sadd.s32 $0xFFFFFEF7, lr;
	s5 =	simm.s32 $0xFFFFFFFF;
	p2 =	slt.u32 s8, $0xFFFFF086  }
0x1c: {  	p1 =	slt.u32 s9, $0xF7A;
	s5 =	simm.s32 @!p2 $0x0  }
0x1d: {  	s5 =	simm.s32 @p1 $0x1;
	p0 =	seq.s32 s7, s2  }
0x1e: {  	s7 =	smul.u32 @!p0 $0xF7A, s2;
	p2 =	seq.s32 @!p0 s5, $0x0  }
0x1f: {  	s9 =	smul.u32 $0xF7A, s1;
	s8 =	simm.s32 @!p0 $0x1BF5;
	p2 =	por !p2, p0  }
0x20: {  	[sflag:s8] =	ssyncset.s32 @!p0 $0xFFFFF086;
	s6 =	sadd.s32 @!p0 s3, s7;
	s7 =	simm.s32 @!p0 $0x108  }
0x21: {  	s3 =	sadd.s32 s3, s9;
	s6 =	sadd.s32 @!p0 $0x88, s6;
	s7 =	simm.s32 @p2 $0x1082  }
0x22: {  	[simem:s7], [sflag:s8] =	dma.local @!p0 [hbm:s6], $0xF7A  }
0x23: {  	s9 =	sor.u32 $0xD0000000, s2;
	s6 =	simm.s32 $0x108;
	_ =	swait.ge @!p0 [sflag:s8], $0x0  }
0x24: {  	s3 =	sadd.s32 $0x88, s3;
	s6 =	simm.s32 @!p1 $0x1082;
	[sflag:s4] =	ssyncset.s32 $0xFFFFF086  }
0x25: {  	[simem:s6], [sflag:s4] =	dma.local [hbm:s3], $0xF7A  }
0x26: {  	[smem:$0x3F9F] =	sst s1;
	(tag) =	ssettag s2;
	_ =	strace s9  }
0x27: {  	s1 =	sld [smem:$0x3FAF]  }
0x28: {  	s2 =	sld [smem:$0x3FB0]  }
0x29: {  	s4 =	sld [smem:$0x3FB2]  }
0x2a: {  	p0 =	seq.s32 s5, $0x0;
	s5 =	sld [smem:$0x3FB3]  }
0x2b: {  	s6 =	sld [smem:$0x3FB4]  }
0x2c: {  	s7 =	sld [smem:$0x3FB5]  }
0x2d: {  	s3 =	simm.s32 $0x108;
	s8 =	sld [smem:$0x3FB6]  }
0x2e: {  	s3 =	simm.s32 @!p0 $0x1082;
	s9 =	sld [smem:$0x3FB7]  }
0x2f: {  	lr =	sadd.s32 s0, s3;
	s0 =	sld [smem:$0x3FAE]  }
0x30: {  	s3 =	sld [smem:$0x3FB1]  }
0x31: {  	[smem:$0x3FBA] =	sst s10  }
0x32: {  	s10 =	sld [smem:$0x3FB8];
	_ =	sdelay $0x3  }
0x33: {  	p0 =	seq.s32 s10, $0x1;
	s10 =	sld [smem:$0x3FBA];
	_ =	sdelay $0x3  }
0x34: {  	[smem:$0x3FBA] =	sst s10  }
0x35: {  	s10 =	sld [smem:$0x3FB9];
	_ =	sdelay $0x3  }
0x36: {  	p1 =	seq.s32 s10, $0x1;
	s10 =	sld [smem:$0x3FBA];
	_ =	sdelay $0x3  }
0x37: {  	[smem:$0x3FBA] =	sst s10  }
0x38: {  	s10 =	sld [smem:$0x3FBB]  }
0x39: {  	_ = 	snop;
	(pc) =	sbr.ind lr, $3  }
0x3a: {  	_ = 	snop  }
0x3b: {  	_ = 	snop  }
0x3c: {  	p2 =	seq.s32 s10, $0x1;
	s10 =	sld [smem:$0x3FBA]  }
0x3d: {  	_ =	shalt  }
0x3e: {  	_ =	shalt  }
0x3f: {  	_ =	shalt  }
0x40: {  	_ =	shalt  }
0x41: {  	_ =	shalt  }
0x42: {  	_ =	shalt  }
0x43: {  	_ =	shalt  }
0x44: {  	_ =	shalt  }
0x45: {  	_ =	shalt  }
0x46: {  	_ =	shalt  }
0x47: {  	_ =	shalt  }
0x48: {  	_ =	shalt  }
0x49: {  	_ =	shalt  }
0x4a: {  	_ =	shalt  }
0x4b: {  	_ =	shalt  }
0x4c: {  	_ =	shalt  }
0x4d: {  	_ =	shalt  }
0x4e: {  	_ =	shalt  }
0x4f: {  	_ =	shalt  }
0x50: {  	_ =	shalt  }
0x51: {  	_ =	shalt  }
0x52: {  	_ =	shalt  }
0x53: {  	_ =	shalt  }
0x54: {  	_ =	shalt  }
0x55: {  	_ =	shalt  }
0x56: {  	_ =	shalt  }
0x57: {  	_ =	shalt  }
0x58: {  	_ =	shalt  }
0x59: {  	_ =	shalt  }
0x5a: {  	_ =	shalt  }
0x5b: {  	_ =	shalt  }
0x5c: {  	_ =	shalt  }
0x5d: {  	_ =	shalt  }
0x5e: {  	_ =	shalt  }
0x5f: {  	_ =	shalt  }
0x60: {  	_ =	shalt  }
0x61: {  	_ =	shalt  }
0x62: {  	_ =	shalt  }
0x63: {  	_ =	shalt  }
0x64: {  	_ =	shalt  }
0x65: {  	_ =	shalt  }
0x66: {  	_ =	shalt  }
0x67: {  	_ =	shalt  }
0x68: {  	_ =	shalt  }
0x69: {  	_ =	shalt  }
0x6a: {  	_ =	shalt  }
0x6b: {  	_ =	shalt  }
0x6c: {  	_ =	shalt  }
0x6d: {  	_ =	shalt  }
0x6e: {  	_ =	shalt  }
0x6f: {  	_ =	shalt  }
0x70: {  	_ =	shalt  }
0x71: {  	_ =	shalt  }
0x72: {  	_ =	shalt  }
0x73: {  	_ =	shalt  }
0x74: {  	_ =	shalt  }
0x75: {  	_ =	shalt  }
0x76: {  	_ =	shalt  }
0x77: {  	_ =	shalt  }
0x78: {  	_ =	shalt  }
0x79: {  	_ =	shalt  }
0x7a: {  	_ =	shalt  }
0x7b: {  	_ =	shalt  }
0x7c: {  	_ =	shalt  }
0x7d: {  	_ =	shalt  }
0x7e: {  	_ =	shalt  }
0x7f: {  	_ =	shalt  }
0x80: {  	_ =	shalt  }
0x81: {  	_ =	shalt  }
0x82: {  	_ =	shalt  }
0x83: {  	_ =	shalt  }
0x84: {  	_ =	shalt  }
0x85: {  	_ =	shalt  }
0x86: {  	_ =	shalt  }
0x87: {  	_ =	shalt  }
.Lfunc_end0:
.L_simem_size_0:
called_computation_lowered:
.L_overlay_start_0:
0x88: {  	s2 =	sld [smem:$0x3FD9]  }
0x89: {  	s3 =	sld [smem:$0x3FFE];
	_ =	sdelay $0x1  }
0x8a: {  	s1 =	srdreg.scid  }
0x8b: {  	s0 =	sand.u32 $0x1, s1  }
0x8c: {  	s17 =	sshll.u32 s0, $0xA;
	s2 =	sadd.s32 s3, s2  }
0x8d: {  	s2 =	sadd.s32 s2, s17  }
0x8e: {  	[smem:$0x3FC6] =	sst s2  }
0x8f: {  	_ = 	snop  }
0x90: {  	s2 =	sld [smem:$0x3FC9]  }
0x91: {  	s18 =	sld [smem:$0x3FC8];
	(tm) =	ssettm $0x1  }
0x92: {  	s4 =	sld [smem:$0x3FFB];
	_ =	sdelay $0x3  }
0x93: {  	_ =	strace s4  }
0x94: {  	s4 =	sld [smem:$0x3FFC];
	_ =	sdelay $0x3  }
0x95: {  	_ =	strace s4  }
0x96: {  	s4 =	sld [smem:$0x3FFD];
	_ =	sdelay $0x3  }
0x97: {  	_ =	strace s4  }
0x98: {  	_ =	strace $0x8FFFFFFF  }
0x99: {  	s19 =	sld [smem:$0x3FDB];
	_ =	sdelay $0x1  }
0x9a: {  	s5 =	simm.s32 $_scs_section_size  }
0x9b: {  	s6 =	simm.s32 $_size__tile_overlayer_lowered;
	s7 =	simm.s32 $_tile_overlayer_lowered  }
0x9c: {  	s22 =	simm.s32 $0x1BFF;
	s21 =	sshll.u32 s7, $0x1;
	s4 =	sadd.s32 s5, s19  }
0x9d: {  	s8 =	simm.s32 $0x0;
	s20 =	sshll.u32 s6, $0x1;
	s6 =	sadd.s32 s21, s4  }
0x9e: {  	[timem:s8], [sflag:s22] =	dma.local [hbm:s6], s20  }
0x9f: {  	_ =	swait.ge [sflag:s22], s20  }
0xa0: {  	s5 =	ssub.s32 $0x0, s20;
	[sflag:s22] =	ssyncset.done $0x0  }
0xa1: {  	[sflag:s22] =	ssyncadd.s32 s5;
	_ =	sdelay $0x1  }
0xa2: {  	s23 =	simm.s32 $0x1B8B  }
0xa3: {  	_ =	swait.ge [sflag:s23], $0x1  }
0xa4: {  	[sflag:s23] =	ssyncset.done $0x0  }
0xa5: {  	s25 =	simm.s32 $0x1B8E;
	s24 =	sld [smem:$0x3FFE];
	[sflag:s23] =	ssyncadd.s32 $0xFFFFFFFF  }
0xa6: {  	s26 =	simm.s32 $execute0_lowered;
	[smem:$0x3FD2] =	sst s25  }
0xa7: {  	s6 =	sshll.u32 s26, $0x1;
	_ =	strace $0x80000046;
	[dreg:$0x1] =	wrdreg $0xFFFFFFFF  }
0xa8: {  	s28 =	simm.s32 $_size_execute0_lowered;
	s4 =	sadd.s32 s4, s6;
	[dreg:$0x0] =	wrdreg $0x0  }
0xa9: {  	s6 =	sshll.u32 s28, $0x1;
	[dreg:$0x2] =	wrdreg s4  }
0xaa: {  	[dreg:$0x3] =	wrdreg s6  }
0xab: {  	[dreg:$0x4] =	wrdreg $0xC0  }
0xac: {  	_ =	task [dreg:s8], $0x5FFFF  }
0xad: {  	[dreg:$0x1] =	wrdreg $0xFFFFFFFF  }
0xae: {  	[dreg:$0x0] =	wrdreg $0x60  }
0xaf: {  	[dreg:$0x2] =	wrdreg s2  }
0xb0: {  	[dreg:$0x3] =	wrdreg s18  }
0xb1: {  	[dreg:$0x4] =	wrdreg s24  }
0xb2: {  	[dreg:$0x5] =	wrdreg $0x9  }
0xb3: {  	_ =	task.clear_ibuf [dreg:s8], $0x6FFFF;
	_ =	strace $0x90000046  }
0xb4: {  	s29 =	simm.s32 $0x9;
	_ =	strace $0x80000048  }
0xb5: {  	_ =	swait.ge [sflag:s29], $0x1  }
0xb6: {  	[sflag:s29] =	ssyncadd.s32 $0xFFFFFFFF  }
0xb7: {  	_ =	strace $0x90000048  }
0xb8: {  	_ =	sfence  }
0xb9: {  	s30 =	sld [smem:$0x0];
	_ =	sdelay $0x2  }
0xba: {  	s31 =	sshll.u32 s1, $0xD;
	s1 =	sshrl.u32 s1, $0x2  }
0xbb: {  	s3 =	sand.u32 $0x4000, s31;
	s1 =	sadd.s32 s1, s30  }
0xbc: {  	s0 =	sor.u32 s3, s0;
	s1 =	sshll.u32 s1, $0x11  }
0xbd: {  	s0 =	sor.u32 s1, s0  }
0xbe: {  	s0 =	sadd.s32 $0x8F2B, s0  }
0xbf: {  	[sflag:s0] =	ssyncadd.remote.s32 $0x1  }
0xc0: {  	_ =	sfence.sel $0xFFFF  }
0xc1: {  	[dreg:$0x0] =	wrdreg $0xFFFFFFFF;
	(pc) =	sbr.abs _section_cstart, $3  }
0xc2: {  	[dreg:$0x1] =	wrdreg $0xFFFFFFFF  }
0xc3: {  	_ =	task.clear_ibuf [dreg:s8], $0x2FFFF;
	_ =	strace $0x9FFFFFFF  }
0xc4: {  	(tm) =	ssettm $0x7FFFFFFF  }
0xc5: {  	_ =	shalt  }
tec
execute0_lowered:
.L_overlay_start_1:
0x0: {  	(tag) =	ssettag $0x1  }
0x1: {  	s1 =	rddreg [dreg:$0x0]  }
0x2: {  	s2 =	rddreg [dreg:$0x1]  }
0x3: {  	s5 =	rddreg [dreg:$0x2]  }
0x4: {  	s0 =	rddreg [dreg:$0x3];
	s4 =	simm.s32 $0x0  }
0x5: {  	s3 =	stileid.u32;
	s6 =	srdreg.scid;
	s13 =	simm.s32 $0x3  }
0x6: {  	s14 =	simm.s32 $0x1;
	s15 =	simm.s32 $0x2;
	s16 =	simm.s32 $0x400  }
0x7: {  	s17 =	simm.s32 $0x10000;
	s18 =	simm.s32 $0x0;
	[smem:$0x7FF] =	sst s4  }
0x8: {  	s7 =	sshrl.u32 s3, $0x2;
	s6 =	sand.u32 $0x1, s6;
	s10 =	sshll.u32 s3, $0x4  }
0x9: {  	_ =	strace $0x80000047;
	s8 =	sshll.u32 s7, $0x12;
	s9 =	ssub.s32 $0x2, s6  }
0xa: {  	s6 =	sshll.u32 s6, $0x3;
	s10 =	sand.u32 $0x30, s10;
	s7 =	sshll.u32 s7, $0x17  }
0xb: {  	s11 =	sshrl.u32 s9, $0x1;
	s12 =	sadd.s32 s8, s5;
	s5 =	sor.u32 s6, s10  }
0xc: {  	s11 =	ssub.s32 s9, s11;
	s31 =	sshll.u32 s5, $0x7;
	s6 =	sshll.u32 s5, $0x6  }
0xd: {  	s9 =	sadd.s32 $0x400, s12;
	s12 =	simm.s32 $0x80;
	s7 =	sor.u32 s7, s31  }
0xe: {  	v0 =	vlaneseq.u32;
	s8 =	sor.u32 $0x100000, s6;
	s10 =	smax.u32 s11, $0x1;
	s11 =	simm.s32 $0x10  }
.LBB2_1:
0xf: {  	s19 =	simm.s32 $0x0  }
.LBB2_2:
0x10: {  	s21 =	sshll.u32 s19, $0x4  }
0x11: {  	s20 =	sadd.s32 s7, s21  }
0x12: {  	s23 =	sshrl.u32 s20, $0x3  }
0x13: {  	s20 =	sadd.s32 s1, s23  }
0x14: {  	s22 =	simm.s32 $0x200;
	s25 =	simm.s32 $0x0;
	s24 =	sadd.s32 $0x400, s20  }
.LBB2_3:
0x15: {  	[tilespmem:s25], [sflag:$0x3] =	stream.strided.gather [hbm4b:s20+s11], $0x80, s12, s11, $0x38;
	[tilespmem:$0x1C000] =	vst v63  }
0x16: {  	s25 =	smov.u32 s22;
	s20 =	smov.u32 s24;
	p0 =	sne.s32 s22, $0x3FE00  }
.Ltmp0:
0x17: {  	s22 =	sadd.s32 $0x200, s22;
	(pc) =	sbr.rel @p0 .LBB2_3-.Ltmp0, $2  }
0x18: {  	_ =	sdelay $0x2  }
0x19: {  	s24 =	sadd.s32 $0x400, s24;
	s25 =	sshra.s32 s25, $0x2  }
0x1a: {  	[tilespmem:s25], [sflag:$0x3] =	stream.strided.gather [hbm4b:s20+s11], $0x80, s12, s11, $0x38;
	[tilespmem:$0x1C000] =	vst v63  }
0x1b: {  	s30 =	sor.u32 s6, s21  }
0x1c: {  	_ =	swait.ge [sflag:s13], $0x10000;
	s20 =	sshrl.u32 s30, $0x3  }
0x1d: {  	s31 =	simm.s32 $0x18000;
	[sflag:s13] =	ssyncset.done $0x0;
	s22 =	sadd.s32 s2, s20  }
0x1e: {  	s20 =	simm.s32 $0x100;
	[sflag:s13] =	ssyncadd.s32 $0xFFFF0000;
	s24 =	smov.u32 s22  }
0x1f: {  	[tilespmem:s31], [sflag:$0x1] =	stream.strided.gather [hbm4b:s22+s11], $0x40, s12, s11, $0x38;
	[tilespmem:$0x1C000] =	vst v63  }
.LBB2_5:
0x20: {  	p0 =	seq.s32 s20, $0x7F00  }
.Ltmp1:
0x21: {  	_ = 	snop;
	(pc) =	sbr.rel @!p0 .LBB2_5-.Ltmp1, $4  }
0x22: {  	_ = 	snop  }
0x23: {  	s25 =	sshra.s32 s20, $0x2;
	s20 =	sadd.s32 $0x100, s20  }
0x24: {  	s24 =	sadd.s32 $0x200, s24;
	s25 =	sadd.s32 $0x18000, s25  }
0x25: {  	[tilespmem:s25], [sflag:$0x1] =	stream.strided.gather [hbm4b:s24+s11], $0x40, s12, s11, $0x38;
	[tilespmem:$0x1C000] =	vst v63  }
0x26: {  	s20 =	sadd.s32 s21, s6;
	s21 =	sadd.s32 s21, s8  }
0x27: {  	s24 =	simm.s32 $0x0;
	s25 =	simm.s32 $0x10010;
	s26 =	simm.s32 $0x10810  }
.LBB2_7:
0x28: {  	s28 =	sshll.u32 s24, $0x14  }
0x29: {  	s29 =	sadd.s32 s28, s20  }
0x2a: {  	_ =	swait.ge [sflag:s14], $0x2000;
	s29 =	sadd.s32 $0x80000, s29  }
0x2b: {  	[sflag:s14] =	ssyncset.done $0x0;
	s29 =	sshrl.u32 s29, $0x3  }
0x2c: {  	s30 =	simm.s32 $0x0;
	[sflag:s14] =	ssyncadd.s32 $0xFFFFE000;
	s29 =	sadd.s32 s2, s29  }
.LBB2_8:
0x2d: {  	p0 =	sne.s32 s30, $0x7F00  }
.Ltmp2:
0x2e: {  	_ = 	snop;
	(pc) =	sbr.rel @p0 .LBB2_8-.Ltmp2, $4  }
0x2f: {  	s31 =	sshra.s32 s30, $0x2  }
0x30: {  	s31 =	sadd.s32 $0x1A000, s31  }
0x31: {  	[tilespmem:s31], [sflag:$0x2] =	stream.strided.gather [hbm4b:s29+s11], $0x40, s12, s11, $0x38;
	[tilespmem:$0x1C000] =	vst v63  }
0x32: {  	s30 =	sadd.s32 $0x100, s30;
	s29 =	sadd.s32 $0x200, s29  }
0x33: {  	s29 =	simm.s32 $0x18040  }
0x34: {  	v1 =	vld [tilespmem:s29+$0x10]  }
0x35: {  	v4 =	vld [tilespmem:s29+$0x0];
	_ =	sdelay $0x1  }
0x36: {  	v5 =	vld [tilespmem:s29+$0x20];
	_ =	sdelay $0x1  }
0x37: {  	v6 =	vld [tilespmem:s29+$0x30];
	vm0 =	vlt.s32 v1, $0xFFF  }
0x38: {  	v2 =	vld [tilespmem:s29+$0xFFFFFFD0];
	vm1 =	vlt.s32 v4, $0xFFF;
	v3 =	vnsel vm0, $0xFFF, v1  }
0x39: {  	v7 =	vld [tilespmem:s29+$0xFFFFFFC0];
	v8 =	vnsel vm1, $0xFFF, v4;
	v3 =	vshll.u32 v3, $0x4  }
0x3a: {  	vm0 =	vlt.s32 v5, $0xFFF;
	v8 =	vshll.u32 v8, $0x4;
	v3 =	vor.u32 v0, v3  }
0x3b: {  	v10 =	vld [tilespmem:s29+$0xFFFFFFE0];
	v9 =	vnsel vm0, $0xFFF, v5;
	v8 =	vor.u32 v0, v8  }
0x3c: {  	vm0 =	vlt.s32 v6, $0xFFF;
	v9 =	vshll.u32 v9, $0x4  }
0x3d: {  	v11 =	vld [tilespmem:s29+$0xFFFFFFF0];
	v12 =	vnsel vm0, $0xFFF, v6;
	vm0 =	vlt.s32 v2, $0xFFF;
	v9 =	vor.u32 v0, v9  }
0x3e: {  	v13 =	vnsel vm0, $0xFFF, v2;
	vm0 =	vlt.s32 v7, $0xFFF  }
0x3f: {  	vm2 =	vlt.s32 v2, $0x1000;
	v12 =	vshll.u32 v12, $0x4;
	v14 =	vnsel vm0, $0xFFF, v7;
	v15 =	vld.idx.msk [tilespmem:v3+s4+$0x0], $0xffff  }
0x40: {  	s29 =	simm.s32 $0x180C0;
	v12 =	vor.u32 v0, v12;
	vm0 =	vlt.s32 v10, $0xFFF;
	v3 =	vshll.u32 v14, $0x4;
	v8 =	vld.idx.msk [tilespmem:v8+s4+$0x0], $0xffff  }
0x41: {  	vm4 =	vlt.s32 v5, $0x1000;
	v2 =	vld [tilespmem:s29+$0x10];
	v14 =	vor.u32 v0, v3;
	v3 =	vnsel vm0, $0xFFF, v10  }
0x42: {  	vm1 =	vlt.s32 v11, $0xFFF;
	vm3 =	vmmov vm2;
	v9 =	vld.idx.msk [tilespmem:v9+s4+$0x0], $0xffff;
	v3 =	vshll.u32 v3, $0x4  }
0x43: {  	v16 =	vnsel vm1, $0xFFF, v11;
	vm0 =	vlt.s32 v1, $0x1000;
	v17 =	vor.u32 v0, v3;
	v3 =	vld [tilespmem:s29+$0x0]  }
0x44: {  	v18 =	vld [tilespmem:s29+$0xFFFFFFD0];
	vm2 =	vlt.s32 v4, $0x1000;
	v16 =	vshll.u32 v16, $0x4;
	v1 =	vnsel vm0, $0xFF800000, v15  }
0x45: {  	vm1 =	vlt.s32 v10, $0x1000;
	v16 =	vor.u32 v0, v16;
	v12 =	vld.idx.msk [tilespmem:v12+s4+$0x0], $0xffff;
	v8 =	vmax.f32 v8, v1  }
0x46: {  	v4 =	vld [tilespmem:s29+$0x20];
	v13 =	vshll.u32 v13, $0x4;
	vm0 =	vlt.s32 v7, $0x1000;
	v7 =	vsel vm2, v8, v1  }
0x47: {  	v13 =	vor.u32 v0, v13;
	vm5 =	vlt.s32 v2, $0xFFF;
	v5 =	vmax.f32 v7, v9  }
0x48: {  	vm2 =	vlt.s32 v11, $0x1000;
	v1 =	vld [tilespmem:s29+$0x30];
	vm6 =	vlt.s32 v3, $0xFFF;
	v7 =	vsel vm4, v5, v7  }
0x49: {  	vm4 =	vlt.s32 v6, $0x1000;
	v5 =	vld [tilespmem:s29+$0xFFFFFFC0];
	v6 =	vnsel vm5, $0xFFF, v2;
	v9 =	vnsel vm6, $0xFFF, v3  }
0x4a: {  	vm5 =	vlt.s32 v18, $0xFFF;
	v8 =	vmax.f32 v7, v12;
	v6 =	vshll.u32 v6, $0x4  }
0x4b: {  	v19 =	vsel vm4, v8, v7;
	v7 =	vld [tilespmem:s29+$0xFFFFFFE0];
	v8 =	vshll.u32 v9, $0x4;
	vm4 =	vlt.s32 v4, $0xFFF  }
0x4c: {  	v15 =	vor.u32 v0, v6;
	v6 =	vld [tilespmem:s29+$0xFFFFFFF0];
	v20 =	vor.u32 v0, v8;
	v8 =	vnsel vm4, $0xFFF, v4  }
0x4d: {  	v21 =	vld.idx.msk [tilespmem:v13+s4+$0x0], $0xffff;
	v9 =	vnsel vm5, $0xFFF, v18;
	vm4 =	vlt.s32 v1, $0xFFF;
	v8 =	vshll.u32 v8, $0x4  }
0x4e: {  	v12 =	vld.idx.msk [tilespmem:v14+s4+$0x0], $0xffff;
	v14 =	vshll.u32 v9, $0x4;
	vm5 =	vlt.s32 v5, $0xFFF;
	v13 =	vor.u32 v0, v8  }
0x4f: {  	v11 =	vld.idx.msk [tilespmem:v17+s4+$0x0], $0xffff;
	v8 =	vnsel vm4, $0xFFF, v1;
	vm4 =	vlt.s32 v18, $0x1000;
	v10 =	vnsel vm5, $0xFFF, v5  }
0x50: {  	v9 =	vld.idx.msk [tilespmem:v16+s4+$0x0], $0xffff;
	v8 =	vshll.u32 v8, $0x4;
	v17 =	vshll.u32 v10, $0x4;
	v10 =	vor.u32 v0, v14  }
0x51: {  	v16 =	vor.u32 v0, v8;
	v14 =	vld.idx.msk [tilespmem:v15+s4+$0x0], $0xffff;
	vm5 =	vlt.s32 v7, $0xFFF;
	vm6 =	vlt.s32 v6, $0xFFF  }
0x52: {  	v8 =	vor.u32 v0, v17;
	v15 =	vld.idx.msk [tilespmem:v20+s4+$0x0], $0xffff;
	v17 =	vnsel vm5, $0xFFF, v7;
	v20 =	vnsel vm6, $0xFFF, v6  }
0x53: {  	s30 =	simm.s32 $0x2;
	s31 =	simm.s32 $0x18140;
	s29 =	smov.u32 s25;
	[tilespmem:s25+$0x0] =	vst v19;
	v18 =	vshll.u32 v17, $0x4;
	v19 =	vshll.u32 v20, $0x4;
	v17 =	vnsel vm3, $0xFF800000, v21;
	v13 =	vld.idx.msk [tilespmem:v13+s4+$0x0], $0xffff  }
.LBB2_10:
0x54: {  	v18 =	vor.u32 v0, v18;
	v19 =	vor.u32 v0, v19;
	v12 =	vmax.f32 v12, v17  }
0x55: {  	v20 =	vld [tilespmem:s31+$0x10];
	vm5 =	vmmov vm1;
	vm6 =	vmmov vm2;
	vm3 =	vmmov vm4  }
0x56: {  	s30 =	sadd.s32 $0x2, s30;
	vm2 =	vlt.s32 v2, $0x1000;
	v16 =	vld.idx.msk [tilespmem:v16+s4+$0x0], $0xffff;
	v2 =	vsel vm0, v12, v17;
	vm0 =	vlt.s32 v5, $0x1000  }
0x57: {  	vm1 =	vlt.s32 v7, $0x1000;
	p0 =	slt.u32 s30, $0x7E;
	v5 =	vnsel vm2, $0xFF800000, v14;
	v12 =	vld [tilespmem:s31+$0x0];
	v7 =	vmax.f32 v2, v11  }
0x58: {  	vm4 =	vlt.s32 v3, $0x1000;
	v3 =	vmax.f32 v15, v5;
	v17 =	vld [tilespmem:s31+$0xFFFFFFD0];
	v7 =	vsel vm5, v7, v2  }
0x59: {  	vm2 =	vlt.s32 v6, $0x1000;
	v3 =	vsel vm4, v3, v5;
	v11 =	vld [tilespmem:s31+$0x20];
	v6 =	vmax.f32 v7, v9  }
0x5a: {  	vm4 =	vlt.s32 v4, $0x1000;
	v4 =	vmax.f32 v3, v13;
	v5 =	vld [tilespmem:s31+$0xFFFFFFC0];
	v6 =	vsel vm6, v6, v7;
	v2 =	vmovc v20  }
0x5b: {  	v4 =	vsel vm4, v4, v3;
	vm4 =	vlt.s32 v1, $0x1000;
	vm5 =	vlt.s32 v2, $0xFFF;
	v1 =	vld [tilespmem:s31+$0x30];
	[tilespmem:s29+$0xFFFFFFF0] =	vst v6  }
0x5c: {  	v13 =	vmax.f32 v4, v16;
	v7 =	vld [tilespmem:s31+$0xFFFFFFE0];
	vm6 =	vlt.s32 v12, $0xFFF;
	v9 =	vnsel vm5, $0xFFF, v2;
	v3 =	vmovc v12  }
0x5d: {  	s29 =	sadd.s32 $0x20, s29;
	v14 =	vsel vm4, v13, v4;
	v6 =	vld [tilespmem:s31+$0xFFFFFFF0];
	v12 =	vnsel vm6, $0xFFF, v3;
	v9 =	vshll.u32 v9, $0x4  }
0x5e: {  	v12 =	vshll.u32 v12, $0x4;
	v13 =	vor.u32 v0, v9;
	vm4 =	vlt.s32 v11, $0xFFF;
	v20 =	vld.idx.msk [tilespmem:v10+s4+$0x0], $0xffff;
	[tilespmem:s29+$0x0] =	vst v14;
	v4 =	vmovc v11  }
0x5f: {  	vm5 =	vlt.s32 v17, $0xFFF;
	v15 =	vor.u32 v0, v12;
	v9 =	vnsel vm4, $0xFFF, v4;
	v12 =	vld.idx.msk [tilespmem:v8+s4+$0x0], $0xffff  }
0x60: {  	v8 =	vnsel vm5, $0xFFF, v17;
	v9 =	vshll.u32 v9, $0x4;
	vm4 =	vlt.s32 v1, $0xFFF;
	v11 =	vld.idx.msk [tilespmem:v18+s4+$0x0], $0xffff  }
0x61: {  	vm5 =	vlt.s32 v5, $0xFFF;
	v21 =	vor.u32 v0, v9;
	v10 =	vnsel vm4, $0xFFF, v1;
	v9 =	vld.idx.msk [tilespmem:v19+s4+$0x0], $0xffff  }
.Ltmp3:
0x62: {  	v14 =	vnsel vm5, $0xFFF, v5;
	v8 =	vshll.u32 v8, $0x4;
	v16 =	vshll.u32 v10, $0x4;
	(pc) =	sbr.rel @p0 .LBB2_10-.Ltmp3, $4  }
0x63: {  	v18 =	vshll.u32 v14, $0x4;
	v10 =	vor.u32 v0, v8;
	v14 =	vld.idx.msk [tilespmem:v13+s4+$0x0], $0xffff;
	v16 =	vor.u32 v0, v16  }
0x64: {  	vm5 =	vlt.s32 v7, $0xFFF;
	v8 =	vor.u32 v0, v18;
	vm6 =	vlt.s32 v6, $0xFFF;
	v15 =	vld.idx.msk [tilespmem:v15+s4+$0x0], $0xffff  }
0x65: {  	vm4 =	vlt.s32 v17, $0x1000;
	v13 =	vnsel vm5, $0xFFF, v7;
	v17 =	vnsel vm6, $0xFFF, v6  }
0x66: {  	s31 =	sadd.s32 $0x80, s31;
	v18 =	vshll.u32 v13, $0x4;
	v19 =	vshll.u32 v17, $0x4;
	v17 =	vnsel vm3, $0xFF800000, v20;
	v13 =	vld.idx.msk [tilespmem:v21+s4+$0x0], $0xffff  }
0x67: {  	_ =	sdelay $0x1  }
0x68: {  	v18 =	vor.u32 v0, v18;
	_ =	sdelay $0x1  }
0x69: {  	v19 =	vor.u32 v0, v19;
	v12 =	vmax.f32 v12, v17;
	v10 =	vld.idx.msk [tilespmem:v10+s4+$0x0], $0xffff  }
0x6a: {  	vm1 =	vmmov vm1;
	vm2 =	vmmov vm2;
	vm3 =	vmmov vm4;
	v8 =	vld.idx.msk [tilespmem:v8+s4+$0x0], $0xffff  }
0x6b: {  	vm9 =	vlt.s32 v5, $0x1000;
	vm5 =	vlt.s32 v2, $0x1000;
	vm10 =	vlt.s32 v7, $0x1000  }
0x6c: {  	vm11 =	vlt.s32 v3, $0x1000;
	vm12 =	vlt.s32 v6, $0x1000;
	vm13 =	vlt.s32 v4, $0x1000;
	v58 =	vld.idx.msk [tilespmem:v18+s4+$0x0], $0xffff  }
0x6d: {  	v59 =	vld.idx.msk [tilespmem:v16+s4+$0x0], $0xffff;
	vm14 =	vlt.s32 v1, $0x1000;
	v2 =	vsel vm0, v12, v17;
	v56 =	vnsel vm5, $0xFF800000, v14  }
0x6e: {  	vm0 =	vmmov vm10;
	v3 =	vmax.f32 v15, v56;
	v60 =	vld.idx.msk [tilespmem:v19+s4+$0x0], $0xffff;
	v61 =	vnsel vm3, $0xFF800000, v10  }
0x6f: {  	v57 =	vmax.f32 v2, v11;
	v3 =	vsel vm11, v3, v56;
	v62 =	vmax.f32 v8, v61  }
0x70: {  	v2 =	vsel vm1, v57, v2;
	v63 =	vmax.f32 v3, v13;
	v4 =	vsel vm9, v62, v61  }
0x71: {  	v7 =	vmax.f32 v2, v9;
	v3 =	vsel vm13, v63, v3;
	v6 =	vmax.f32 v4, v58  }
0x72: {  	v2 =	vsel vm2, v7, v2;
	v1 =	vmax.f32 v3, v59;
	v4 =	vsel vm0, v6, v4  }
0x73: {  	s31 =	sadd.s32 $0x20, s29;
	p0 =	seq.s32 s24, $0x7;
	vm15 =	vmmov vm12;
	[tilespmem:s29+$0xFFFFFFF0] =	vst v2;
	v1 =	vsel vm14, v1, v3;
	v2 =	vmax.f32 v4, v60  }
.Ltmp4:
0x74: {  	[tilespmem:s31+$0x0] =	vst v1;
	v1 =	vsel vm15, v2, v4;
	(pc) =	sbr.rel @p0 .LBB2_14-.Ltmp4, $4  }
0x75: {  	[tilespmem:s31+$0xFFFFFFF0] =	vst v1  }
0x76: {  	_ =	swait.ge [sflag:s15], $0x2000  }
0x77: {  	[sflag:s15] =	ssyncset.done $0x0  }
0x78: {  	[sflag:s15] =	ssyncadd.s32 $0xFFFFE000  }
0x79: {  	s28 =	sadd.s32 s21, s28  }
0x7a: {  	s28 =	sshrl.u32 s28, $0x3  }
0x7b: {  	s29 =	simm.s32 $0x18000;
	s28 =	sadd.s32 s2, s28  }
0x7c: {  	[tilespmem:s29], [sflag:$0x1] =	stream.strided.gather [hbm4b:s28+s11], $0x40, s12, s11, $0x38;
	[tilespmem:$0x1C000] =	vst v63  }
0x7d: {  	s29 =	simm.s32 $0x100  }
.LBB2_13:
0x7e: {  	p0 =	sne.s32 s29, $0x7F00  }
.Ltmp5:
0x7f: {  	_ = 	snop;
	(pc) =	sbr.rel @p0 .LBB2_13-.Ltmp5, $4  }
0x80: {  	_ = 	snop  }
0x81: {  	s30 =	sshra.s32 s29, $0x2;
	s29 =	sadd.s32 $0x100, s29  }
0x82: {  	s28 =	sadd.s32 $0x200, s28;
	s30 =	sadd.s32 $0x18000, s30  }
0x83: {  	[tilespmem:s30], [sflag:$0x1] =	stream.strided.gather [hbm4b:s28+s11], $0x40, s12, s11, $0x38;
	[tilespmem:$0x1C000] =	vst v63  }
.LBB2_14:
0x84: {  	s28 =	simm.s32 $0x1A040  }
0x85: {  	v1 =	vld [tilespmem:s28+$0x10]  }
0x86: {  	v4 =	vld [tilespmem:s28+$0x0];
	_ =	sdelay $0x1  }
0x87: {  	v5 =	vld [tilespmem:s28+$0x20];
	_ =	sdelay $0x1  }
0x88: {  	v6 =	vld [tilespmem:s28+$0x30];
	vm0 =	vlt.s32 v1, $0xFFF  }
0x89: {  	v2 =	vld [tilespmem:s28+$0xFFFFFFD0];
	vm1 =	vlt.s32 v4, $0xFFF;
	v3 =	vnsel vm0, $0xFFF, v1  }
0x8a: {  	v7 =	vld [tilespmem:s28+$0xFFFFFFC0];
	v8 =	vnsel vm1, $0xFFF, v4;
	v3 =	vshll.u32 v3, $0x4  }
0x8b: {  	vm0 =	vlt.s32 v5, $0xFFF;
	v8 =	vshll.u32 v8, $0x4;
	v3 =	vor.u32 v0, v3  }
0x8c: {  	v10 =	vld [tilespmem:s28+$0xFFFFFFE0];
	v9 =	vnsel vm0, $0xFFF, v5;
	v8 =	vor.u32 v0, v8  }
0x8d: {  	vm0 =	vlt.s32 v6, $0xFFF;
	v9 =	vshll.u32 v9, $0x4  }
0x8e: {  	v11 =	vld [tilespmem:s28+$0xFFFFFFF0];
	v12 =	vnsel vm0, $0xFFF, v6;
	vm0 =	vlt.s32 v2, $0xFFF;
	v9 =	vor.u32 v0, v9  }
0x8f: {  	v13 =	vnsel vm0, $0xFFF, v2;
	vm0 =	vlt.s32 v7, $0xFFF  }
0x90: {  	vm2 =	vlt.s32 v2, $0x1000;
	v12 =	vshll.u32 v12, $0x4;
	v14 =	vnsel vm0, $0xFFF, v7;
	v15 =	vld.idx.msk [tilespmem:v3+s4+$0x0], $0xffff  }
0x91: {  	s28 =	simm.s32 $0x1A0C0;
	v12 =	vor.u32 v0, v12;
	vm0 =	vlt.s32 v10, $0xFFF;
	v3 =	vshll.u32 v14, $0x4;
	v8 =	vld.idx.msk [tilespmem:v8+s4+$0x0], $0xffff  }
0x92: {  	vm4 =	vlt.s32 v5, $0x1000;
	v2 =	vld [tilespmem:s28+$0x10];
	v14 =	vor.u32 v0, v3;
	v3 =	vnsel vm0, $0xFFF, v10  }
0x93: {  	vm1 =	vlt.s32 v11, $0xFFF;
	vm3 =	vmmov vm2;
	v9 =	vld.idx.msk [tilespmem:v9+s4+$0x0], $0xffff;
	v3 =	vshll.u32 v3, $0x4  }
0x94: {  	v16 =	vnsel vm1, $0xFFF, v11;
	vm0 =	vlt.s32 v1, $0x1000;
	v17 =	vor.u32 v0, v3;
	v3 =	vld [tilespmem:s28+$0x0]  }
0x95: {  	v18 =	vld [tilespmem:s28+$0xFFFFFFD0];
	vm2 =	vlt.s32 v4, $0x1000;
	v16 =	vshll.u32 v16, $0x4;
	v1 =	vnsel vm0, $0xFF800000, v15  }
0x96: {  	vm1 =	vlt.s32 v10, $0x1000;
	v16 =	vor.u32 v0, v16;
	v12 =	vld.idx.msk [tilespmem:v12+s4+$0x0], $0xffff;
	v8 =	vmax.f32 v8, v1  }
0x97: {  	v4 =	vld [tilespmem:s28+$0x20];
	v13 =	vshll.u32 v13, $0x4;
	vm0 =	vlt.s32 v7, $0x1000;
	v7 =	vsel vm2, v8, v1  }
0x98: {  	v13 =	vor.u32 v0, v13;
	vm5 =	vlt.s32 v2, $0xFFF;
	v5 =	vmax.f32 v7, v9  }
0x99: {  	vm2 =	vlt.s32 v11, $0x1000;
	v1 =	vld [tilespmem:s28+$0x30];
	vm6 =	vlt.s32 v3, $0xFFF;
	v7 =	vsel vm4, v5, v7  }
0x9a: {  	vm4 =	vlt.s32 v6, $0x1000;
	v5 =	vld [tilespmem:s28+$0xFFFFFFC0];
	v6 =	vnsel vm5, $0xFFF, v2;
	v9 =	vnsel vm6, $0xFFF, v3  }
0x9b: {  	vm5 =	vlt.s32 v18, $0xFFF;
	v8 =	vmax.f32 v7, v12;
	v6 =	vshll.u32 v6, $0x4  }
0x9c: {  	v19 =	vsel vm4, v8, v7;
	v7 =	vld [tilespmem:s28+$0xFFFFFFE0];
	v8 =	vshll.u32 v9, $0x4;
	vm4 =	vlt.s32 v4, $0xFFF  }
0x9d: {  	v15 =	vor.u32 v0, v6;
	v6 =	vld [tilespmem:s28+$0xFFFFFFF0];
	v20 =	vor.u32 v0, v8;
	v8 =	vnsel vm4, $0xFFF, v4  }
0x9e: {  	v21 =	vld.idx.msk [tilespmem:v13+s4+$0x0], $0xffff;
	v9 =	vnsel vm5, $0xFFF, v18;
	vm4 =	vlt.s32 v1, $0xFFF;
	v8 =	vshll.u32 v8, $0x4  }
0x9f: {  	v12 =	vld.idx.msk [tilespmem:v14+s4+$0x0], $0xffff;
	v14 =	vshll.u32 v9, $0x4;
	vm5 =	vlt.s32 v5, $0xFFF;
	v13 =	vor.u32 v0, v8  }
0xa0: {  	v11 =	vld.idx.msk [tilespmem:v17+s4+$0x0], $0xffff;
	v8 =	vnsel vm4, $0xFFF, v1;
	vm4 =	vlt.s32 v18, $0x1000;
	v10 =	vnsel vm5, $0xFFF, v5  }
0xa1: {  	v9 =	vld.idx.msk [tilespmem:v16+s4+$0x0], $0xffff;
	v8 =	vshll.u32 v8, $0x4;
	v17 =	vshll.u32 v10, $0x4;
	v10 =	vor.u32 v0, v14  }
0xa2: {  	v16 =	vor.u32 v0, v8;
	v14 =	vld.idx.msk [tilespmem:v15+s4+$0x0], $0xffff;
	vm5 =	vlt.s32 v7, $0xFFF;
	vm6 =	vlt.s32 v6, $0xFFF  }
0xa3: {  	v8 =	vor.u32 v0, v17;
	v15 =	vld.idx.msk [tilespmem:v20+s4+$0x0], $0xffff;
	v17 =	vnsel vm5, $0xFFF, v7;
	v20 =	vnsel vm6, $0xFFF, v6  }
0xa4: {  	s29 =	simm.s32 $0x2;
	s30 =	simm.s32 $0x1A140;
	s28 =	smov.u32 s26;
	[tilespmem:s26+$0x0] =	vst v19;
	v18 =	vshll.u32 v17, $0x4;
	v19 =	vshll.u32 v20, $0x4;
	v17 =	vnsel vm3, $0xFF800000, v21;
	v13 =	vld.idx.msk [tilespmem:v13+s4+$0x0], $0xffff  }
.LBB2_15:
0xa5: {  	v18 =	vor.u32 v0, v18;
	v19 =	vor.u32 v0, v19;
	v12 =	vmax.f32 v12, v17  }
0xa6: {  	v20 =	vld [tilespmem:s30+$0x10];
	vm5 =	vmmov vm1;
	vm6 =	vmmov vm2;
	vm3 =	vmmov vm4  }
0xa7: {  	s29 =	sadd.s32 $0x2, s29;
	vm2 =	vlt.s32 v2, $0x1000;
	v16 =	vld.idx.msk [tilespmem:v16+s4+$0x0], $0xffff;
	v2 =	vsel vm0, v12, v17;
	vm0 =	vlt.s32 v5, $0x1000  }
0xa8: {  	vm1 =	vlt.s32 v7, $0x1000;
	p0 =	slt.u32 s29, $0x7E;
	v5 =	vnsel vm2, $0xFF800000, v14;
	v12 =	vld [tilespmem:s30+$0x0];
	v7 =	vmax.f32 v2, v11  }
0xa9: {  	vm4 =	vlt.s32 v3, $0x1000;
	v3 =	vmax.f32 v15, v5;
	v17 =	vld [tilespmem:s30+$0xFFFFFFD0];
	v7 =	vsel vm5, v7, v2  }
0xaa: {  	vm2 =	vlt.s32 v6, $0x1000;
	v3 =	vsel vm4, v3, v5;
	v11 =	vld [tilespmem:s30+$0x20];
	v6 =	vmax.f32 v7, v9  }
0xab: {  	vm4 =	vlt.s32 v4, $0x1000;
	v4 =	vmax.f32 v3, v13;
	v5 =	vld [tilespmem:s30+$0xFFFFFFC0];
	v6 =	vsel vm6, v6, v7;
	v2 =	vmovc v20  }
0xac: {  	v4 =	vsel vm4, v4, v3;
	vm4 =	vlt.s32 v1, $0x1000;
	vm5 =	vlt.s32 v2, $0xFFF;
	v1 =	vld [tilespmem:s30+$0x30];
	[tilespmem:s28+$0xFFFFFFF0] =	vst v6  }
0xad: {  	v13 =	vmax.f32 v4, v16;
	v7 =	vld [tilespmem:s30+$0xFFFFFFE0];
	vm6 =	vlt.s32 v12, $0xFFF;
	v9 =	vnsel vm5, $0xFFF, v2;
	v3 =	vmovc v12  }
0xae: {  	s28 =	sadd.s32 $0x20, s28;
	v14 =	vsel vm4, v13, v4;
	v6 =	vld [tilespmem:s30+$0xFFFFFFF0];
	v12 =	vnsel vm6, $0xFFF, v3;
	v9 =	vshll.u32 v9, $0x4  }
0xaf: {  	v12 =	vshll.u32 v12, $0x4;
	v13 =	vor.u32 v0, v9;
	vm4 =	vlt.s32 v11, $0xFFF;
	v20 =	vld.idx.msk [tilespmem:v10+s4+$0x0], $0xffff;
	[tilespmem:s28+$0x0] =	vst v14;
	v4 =	vmovc v11  }
0xb0: {  	vm5 =	vlt.s32 v17, $0xFFF;
	v15 =	vor.u32 v0, v12;
	v9 =	vnsel vm4, $0xFFF, v4;
	v12 =	vld.idx.msk [tilespmem:v8+s4+$0x0], $0xffff  }
0xb1: {  	v8 =	vnsel vm5, $0xFFF, v17;
	v9 =	vshll.u32 v9, $0x4;
	vm4 =	vlt.s32 v1, $0xFFF;
	v11 =	vld.idx.msk [tilespmem:v18+s4+$0x0], $0xffff  }
0xb2: {  	vm5 =	vlt.s32 v5, $0xFFF;
	v21 =	vor.u32 v0, v9;
	v10 =	vnsel vm4, $0xFFF, v1;
	v9 =	vld.idx.msk [tilespmem:v19+s4+$0x0], $0xffff  }
.Ltmp6:
0xb3: {  	v14 =	vnsel vm5, $0xFFF, v5;
	v8 =	vshll.u32 v8, $0x4;
	v16 =	vshll.u32 v10, $0x4;
	(pc) =	sbr.rel @p0 .LBB2_15-.Ltmp6, $4  }
0xb4: {  	v18 =	vshll.u32 v14, $0x4;
	v10 =	vor.u32 v0, v8;
	v14 =	vld.idx.msk [tilespmem:v13+s4+$0x0], $0xffff;
	v16 =	vor.u32 v0, v16  }
0xb5: {  	vm5 =	vlt.s32 v7, $0xFFF;
	v8 =	vor.u32 v0, v18;
	vm6 =	vlt.s32 v6, $0xFFF;
	v15 =	vld.idx.msk [tilespmem:v15+s4+$0x0], $0xffff  }
0xb6: {  	vm4 =	vlt.s32 v17, $0x1000;
	v13 =	vnsel vm5, $0xFFF, v7;
	v17 =	vnsel vm6, $0xFFF, v6  }
0xb7: {  	s30 =	sadd.s32 $0x80, s30;
	v18 =	vshll.u32 v13, $0x4;
	v19 =	vshll.u32 v17, $0x4;
	v17 =	vnsel vm3, $0xFF800000, v20;
	v13 =	vld.idx.msk [tilespmem:v21+s4+$0x0], $0xffff  }
0xb8: {  	_ =	sdelay $0x1  }
0xb9: {  	v18 =	vor.u32 v0, v18;
	_ =	sdelay $0x1  }
0xba: {  	v19 =	vor.u32 v0, v19;
	v12 =	vmax.f32 v12, v17;
	v10 =	vld.idx.msk [tilespmem:v10+s4+$0x0], $0xffff  }
0xbb: {  	vm1 =	vmmov vm1;
	vm2 =	vmmov vm2;
	vm3 =	vmmov vm4;
	v8 =	vld.idx.msk [tilespmem:v8+s4+$0x0], $0xffff  }
0xbc: {  	vm9 =	vlt.s32 v5, $0x1000;
	vm5 =	vlt.s32 v2, $0x1000;
	vm10 =	vlt.s32 v7, $0x1000  }
0xbd: {  	vm11 =	vlt.s32 v3, $0x1000;
	vm12 =	vlt.s32 v6, $0x1000;
	vm13 =	vlt.s32 v4, $0x1000;
	v58 =	vld.idx.msk [tilespmem:v18+s4+$0x0], $0xffff  }
0xbe: {  	v59 =	vld.idx.msk [tilespmem:v16+s4+$0x0], $0xffff;
	vm14 =	vlt.s32 v1, $0x1000;
	v2 =	vsel vm0, v12, v17;
	v56 =	vnsel vm5, $0xFF800000, v14  }
0xbf: {  	vm0 =	vmmov vm10;
	v3 =	vmax.f32 v15, v56;
	v60 =	vld.idx.msk [tilespmem:v19+s4+$0x0], $0xffff;
	v61 =	vnsel vm3, $0xFF800000, v10  }
0xc0: {  	s24 =	sadd.s32 $0x1, s24;
	v57 =	vmax.f32 v2, v11;
	v3 =	vsel vm11, v3, v56;
	v62 =	vmax.f32 v8, v61  }
0xc1: {  	p0 =	sne.s32 s24, $0x8;
	v2 =	vsel vm1, v57, v2;
	v63 =	vmax.f32 v3, v13;
	v4 =	vsel vm9, v62, v61  }
.Ltmp7:
0xc2: {  	v7 =	vmax.f32 v2, v9;
	v3 =	vsel vm13, v63, v3;
	v6 =	vmax.f32 v4, v58;
	(pc) =	sbr.rel @p0 .LBB2_7-.Ltmp7, $4  }
0xc3: {  	v2 =	vsel vm2, v7, v2;
	v1 =	vmax.f32 v3, v59;
	v4 =	vsel vm0, v6, v4  }
0xc4: {  	s31 =	sadd.s32 $0x20, s28;
	vm15 =	vmmov vm12;
	[tilespmem:s28+$0xFFFFFFF0] =	vst v2;
	v1 =	vsel vm14, v1, v3;
	v2 =	vmax.f32 v4, v60  }
0xc5: {  	[tilespmem:s31+$0x0] =	vst v1;
	v1 =	vsel vm15, v2, v4  }
0xc6: {  	s25 =	sadd.s32 $0x1000, s25;
	s26 =	sadd.s32 $0x1000, s26;
	[tilespmem:s31+$0xFFFFFFF0] =	vst v1  }
0xc7: {  	s23 =	sor.u32 $0x80000, s23  }
0xc8: {  	s23 =	sadd.s32 s1, s23  }
0xc9: {  	s24 =	simm.s32 $0x200;
	s26 =	simm.s32 $0x0;
	s25 =	sadd.s32 $0x400, s23  }
.LBB2_18:
0xca: {  	[tilespmem:s26], [sflag:$0x3] =	stream.strided.gather [hbm4b:s23+s11], $0x80, s12, s11, $0x38;
	[tilespmem:$0x1C000] =	vst v63  }
0xcb: {  	s26 =	smov.u32 s24;
	s23 =	smov.u32 s25;
	p0 =	sne.s32 s24, $0x3FE00  }
.Ltmp8:
0xcc: {  	s24 =	sadd.s32 $0x200, s24;
	(pc) =	sbr.rel @p0 .LBB2_18-.Ltmp8, $2  }
0xcd: {  	_ =	sdelay $0x2  }
0xce: {  	s25 =	sadd.s32 $0x400, s25;
	s26 =	sshra.s32 s26, $0x2  }
0xcf: {  	[tilespmem:s26], [sflag:$0x3] =	stream.strided.gather [hbm4b:s23+s11], $0x80, s12, s11, $0x38;
	[tilespmem:$0x1C000] =	vst v63  }
0xd0: {  	_ =	swait.ge [sflag:s13], $0x10000  }
0xd1: {  	[sflag:s13] =	ssyncset.done $0x0  }
0xd2: {  	s23 =	simm.s32 $0x0;
	s24 =	simm.s32 $0x0;
	[sflag:s13] =	ssyncadd.s32 $0xFFFF0000  }
.LBB2_20:
0xd3: {  	p0 =	sne.s32 s24, $0x7F00  }
.Ltmp9:
0xd4: {  	_ = 	snop;
	(pc) =	sbr.rel @p0 .LBB2_20-.Ltmp9, $4  }
0xd5: {  	s25 =	sshra.s32 s24, $0x2  }
0xd6: {  	s25 =	sadd.s32 $0x18000, s25  }
0xd7: {  	[tilespmem:s25], [sflag:$0x1] =	stream.strided.gather [hbm4b:s22+s11], $0x40, s12, s11, $0x38;
	[tilespmem:$0x1C000] =	vst v63  }
0xd8: {  	s24 =	sadd.s32 $0x100, s24;
	s22 =	sadd.s32 $0x200, s22  }
0xd9: {  	s22 =	simm.s32 $0x10010;
	s24 =	simm.s32 $0x10810  }
.LBB2_22:
0xda: {  	s25 =	sshll.u32 s23, $0x14  }
0xdb: {  	s26 =	sadd.s32 s25, s20  }
0xdc: {  	_ =	swait.ge [sflag:s14], $0x2000;
	s26 =	sadd.s32 $0x80000, s26  }
0xdd: {  	[sflag:s14] =	ssyncset.done $0x0;
	s26 =	sshrl.u32 s26, $0x3  }
0xde: {  	s28 =	simm.s32 $0x0;
	[sflag:s14] =	ssyncadd.s32 $0xFFFFE000;
	s26 =	sadd.s32 s2, s26  }
.LBB2_23:
0xdf: {  	p0 =	sne.s32 s28, $0x7F00  }
.Ltmp10:
0xe0: {  	_ = 	snop;
	(pc) =	sbr.rel @p0 .LBB2_23-.Ltmp10, $4  }
0xe1: {  	s29 =	sshra.s32 s28, $0x2  }
0xe2: {  	s29 =	sadd.s32 $0x1A000, s29  }
0xe3: {  	[tilespmem:s29], [sflag:$0x2] =	stream.strided.gather [hbm4b:s26+s11], $0x40, s12, s11, $0x38;
	[tilespmem:$0x1C000] =	vst v63  }
0xe4: {  	s28 =	sadd.s32 $0x100, s28;
	s26 =	sadd.s32 $0x200, s26  }
0xe5: {  	s26 =	simm.s32 $0x18040  }
0xe6: {  	v1 =	vld [tilespmem:s26+$0xFFFFFFD0]  }
0xe7: {  	v3 =	vld [tilespmem:s26+$0xFFFFFFC0];
	_ =	sdelay $0x2  }
0xe8: {  	v2 =	vld [tilespmem:s26+$0x10]  }
0xe9: {  	v4 =	vld [tilespmem:s26+$0x0];
	v1 =	vadd.s32 $0xFFFFF000, v1  }
0xea: {  	v6 =	vld [tilespmem:s26+$0xFFFFFFE0];
	v3 =	vadd.s32 $0xFFFFF000, v3;
	vm0 =	vgt.s32 v1, $0x0  }
0xeb: {  	v8 =	vld [tilespmem:s26+$0x20];
	vm4 =	vlt.s32 v3, $0x0;
	v5 =	vnsel vm0, $0x0, v1  }
0xec: {  	v3 =	vsel vm4, $0x0, v3;
	v5 =	vshll.u32 v5, $0x4  }
0xed: {  	v9 =	vld [tilespmem:s26+$0xFFFFFFF0];
	v2 =	vadd.s32 $0xFFFFF000, v2;
	v3 =	vshll.u32 v3, $0x4;
	v5 =	vor.u32 v0, v5  }
0xee: {  	vm1 =	vgt.s32 v2, $0x0;
	v3 =	vor.u32 v0, v3  }
0xef: {  	v4 =	vadd.s32 $0xFFFFF000, v4;
	v6 =	vadd.s32 $0xFFFFF000, v6;
	v7 =	vnsel vm1, $0x0, v2  }
0xf0: {  	s29 =	simm.s32 $0x180C0;
	v10 =	vld [tilespmem:s26+$0x30];
	v8 =	vadd.s32 $0xFFFFF000, v8;
	vm0 =	vlt.s32 v6, $0x0;
	v7 =	vshll.u32 v7, $0x4  }
0xf1: {  	v11 =	vld [tilespmem:s29+$0xFFFFFFC0];
	vm1 =	vlt.s32 v4, $0x0;
	v6 =	vsel vm0, $0x0, v6;
	v7 =	vor.u32 v0, v7  }
0xf2: {  	v9 =	vadd.s32 $0xFFFFF000, v9;
	v4 =	vsel vm1, $0x0, v4;
	v6 =	vshll.u32 v6, $0x4;
	v5 =	vld.idx.msk [tilespmem:v5+s4+$0x0], $0xffff  }
0xf3: {  	vm2 =	vlt.s32 v8, $0x0;
	v4 =	vshll.u32 v4, $0x4;
	v6 =	vor.u32 v0, v6;
	v3 =	vld.idx.msk [tilespmem:v3+s4+$0x0], $0xffff  }
0xf4: {  	v12 =	vld [tilespmem:s29+$0x10];
	vm3 =	vlt.s32 v9, $0x0;
	v8 =	vsel vm2, $0x0, v8;
	v4 =	vor.u32 v0, v4  }
0xf5: {  	v13 =	vld [tilespmem:s29+$0xFFFFFFD0];
	vm5 =	vgt.s32 v1, $0xFFFFFFFF;
	v9 =	vsel vm3, $0x0, v9;
	v8 =	vshll.u32 v8, $0x4  }
0xf6: {  	v1 =	vshll.u32 v9, $0x4;
	v9 =	vadd.s32 $0xFFFFF000, v10;
	v8 =	vor.u32 v0, v8;
	v7 =	vld.idx.msk [tilespmem:v7+s4+$0x0], $0xffff  }
0xf7: {  	vm6 =	vgt.s32 v2, $0xFFFFFFFF;
	v5 =	vnsel vm5, $0xFF800000, v5;
	vm5 =	vlt.s32 v9, $0x0  }
0xf8: {  	v14 =	vor.u32 v0, v1;
	v15 =	vld.idx.msk [tilespmem:v6+s4+$0x0], $0xffff;
	v1 =	vmax.f32 v3, v5;
	v2 =	vsel vm5, $0x0, v9  }
0xf9: {  	v6 =	vld.idx.msk [tilespmem:v4+s4+$0x0], $0xffff;
	v3 =	vsel vm4, v5, v1;
	v5 =	vshll.u32 v2, $0x4  }
0xfa: {  	v10 =	vadd.s32 $0xFFFFF000, v11;
	v11 =	vld [tilespmem:s29+$0x0];
	v1 =	vadd.s32 $0xFFFFF000, v12;
	v9 =	vor.u32 v0, v5  }
0xfb: {  	v4 =	vnsel vm6, $0xFF800000, v7;
	v7 =	vld.idx.msk [tilespmem:v8+s4+$0x0], $0xffff;
	v2 =	vadd.s32 $0xFFFFF000, v13;
	vm6 =	vgt.s32 v1, $0x0  }
0xfc: {  	vm4 =	vlt.s32 v10, $0x0;
	v12 =	vld [tilespmem:s29+$0xFFFFFFE0];
	vm7 =	vgt.s32 v2, $0x0;
	v8 =	vnsel vm6, $0x0, v1  }
0xfd: {  	s30 =	simm.s32 $0x2;
	s28 =	smov.u32 s22;
	s26 =	smov.u32 s22;
	v5 =	vld.idx.msk [tilespmem:v14+s4+$0x0], $0xffff;
	v14 =	vnsel vm7, $0x0, v2;
	v13 =	vshll.u32 v8, $0x4;
	v8 =	vmax.f32 v3, v15  }
.LBB2_25:
0xfe: {  	s30 =	sadd.s32 $0x2, s30;
	v10 =	vsel vm4, $0x0, v10;
	v14 =	vshll.u32 v14, $0x4;
	v15 =	vld [tilespmem:s26+$0xFFFFFFF0];
	v6 =	vmax.f32 v6, v4;
	s28 =	sadd.s32 $0x20, s28  }
0xff: {  	v13 =	vor.u32 v0, v13;
	p0 =	slt.u32 s30, $0x7E;
	v14 =	vor.u32 v0, v14;
	v4 =	vsel vm1, v4, v6;
	v6 =	vld.idx.msk [tilespmem:v9+s4+$0x0], $0xffff  }
0x100: {  	v9 =	vshll.u32 v10, $0x4;
	v10 =	vadd.s32 $0xFFFFF000, v11;
	v11 =	vld [tilespmem:s29+$0x20];
	v7 =	vmax.f32 v4, v7  }
0x101: {  	v3 =	vsel vm0, v3, v8;
	v9 =	vor.u32 v0, v9;
	vm1 =	vlt.s32 v10, $0x0;
	v8 =	vld [tilespmem:s26+$0x0]  }
0x102: {  	v5 =	vmax.f32 v3, v5;
	v12 =	vadd.s32 $0xFFFFF000, v12;
	v16 =	vld [tilespmem:s29+$0xFFFFFFF0];
	v10 =	vsel vm1, $0x0, v10  }
0x103: {  	v4 =	vsel vm2, v4, v7;
	vm0 =	vlt.s32 v12, $0x0;
	v10 =	vshll.u32 v10, $0x4;
	v17 =	vld [tilespmem:s29+$0x30]  }
0x104: {  	v3 =	vsel vm3, v3, v5;
	v7 =	vld.idx.msk [tilespmem:v14+s4+$0x0], $0xffff;
	v12 =	vsel vm0, $0x0, v12;
	v10 =	vor.u32 v0, v10  }
0x105: {  	v6 =	vmax.f32 v4, v6;
	v5 =	vshll.u32 v12, $0x4;
	v12 =	vld.idx.msk [tilespmem:v13+s4+$0x0], $0xffff;
	v11 =	vadd.s32 $0xFFFFF000, v11  }
0x106: {  	v4 =	vsel vm5, v4, v6;
	v9 =	vld.idx.msk [tilespmem:v9+s4+$0x0], $0xffff;
	v5 =	vor.u32 v0, v5;
	vm2 =	vlt.s32 v11, $0x0  }
0x107: {  	s29 =	sadd.s32 $0x80, s29;
	v4 =	vmax.f32 v8, v4;
	v6 =	vadd.s32 $0xFFFFF000, v16;
	v11 =	vsel vm2, $0x0, v11  }
0x108: {  	v3 =	vmax.f32 v15, v3;
	v8 =	vld [tilespmem:s29+$0xFFFFFFC0];
	vm3 =	vlt.s32 v6, $0x0;
	v11 =	vshll.u32 v11, $0x4;
	[tilespmem:s26+$0x0] =	vst v4  }
0x109: {  	vm5 =	vgt.s32 v2, $0xFFFFFFFF;
	v13 =	vld [tilespmem:s29+$0x10];
	v2 =	vsel vm3, $0x0, v6;
	v11 =	vor.u32 v0, v11;
	[tilespmem:s26+$0xFFFFFFF0] =	vst v3;
	s26 =	smov.u32 s28  }
0x10a: {  	v3 =	vnsel vm5, $0xFF800000, v7;
	v7 =	vadd.s32 $0xFFFFF000, v17;
	v14 =	vld [tilespmem:s29+$0xFFFFFFD0];
	v2 =	vshll.u32 v2, $0x4  }
0x10b: {  	vm6 =	vgt.s32 v1, $0xFFFFFFFF;
	vm5 =	vlt.s32 v7, $0x0;
	v15 =	vld.idx.msk [tilespmem:v5+s4+$0x0], $0xffff;
	v5 =	vor.u32 v0, v2  }
0x10c: {  	v4 =	vnsel vm6, $0xFF800000, v12;
	v1 =	vmax.f32 v9, v3;
	v2 =	vsel vm5, $0x0, v7;
	v6 =	vld.idx.msk [tilespmem:v10+s4+$0x0], $0xffff  }
.Ltmp11:
0x10d: {  	v3 =	vsel vm4, v3, v1;
	v2 =	vshll.u32 v2, $0x4;
	v10 =	vadd.s32 $0xFFFFF000, v8;
	(pc) =	sbr.rel @p0 .LBB2_25-.Ltmp11, $4  }
0x10e: {  	v9 =	vor.u32 v0, v2;
	vm4 =	vlt.s32 v10, $0x0;
	v1 =	vadd.s32 $0xFFFFF000, v13;
	v7 =	vld.idx.msk [tilespmem:v11+s4+$0x0], $0xffff  }
0x10f: {  	v2 =	vadd.s32 $0xFFFFF000, v14;
	v11 =	vld [tilespmem:s29+$0x0];
	vm6 =	vgt.s32 v1, $0x0  }
0x110: {  	vm7 =	vgt.s32 v2, $0x0;
	v8 =	vnsel vm6, $0x0, v1;
	v5 =	vld.idx.msk [tilespmem:v5+s4+$0x0], $0xffff  }
0x111: {  	v14 =	vnsel vm7, $0x0, v2;
	v12 =	vld [tilespmem:s29+$0xFFFFFFE0];
	v13 =	vshll.u32 v8, $0x4;
	v8 =	vmax.f32 v3, v15  }
0x112: {  	v15 =	vld [tilespmem:s29+$0x20]  }
0x113: {  	v16 =	vld [tilespmem:s29+$0x30]  }
0x114: {  	v14 =	vshll.u32 v14, $0x4;
	v17 =	vld [tilespmem:s29+$0xFFFFFFF0]  }
0x115: {  	v10 =	vsel vm4, $0x0, v10;
	v13 =	vor.u32 v0, v13;
	v11 =	vadd.s32 $0xFFFFF000, v11  }
0x116: {  	v14 =	vor.u32 v0, v14;
	v10 =	vshll.u32 v10, $0x4;
	vm7 =	vlt.s32 v11, $0x0  }
0x117: {  	v10 =	vor.u32 v0, v10;
	v12 =	vadd.s32 $0xFFFFF000, v12;
	v11 =	vsel vm7, $0x0, v11  }
0x118: {  	vm6 =	vlt.s32 v12, $0x0;
	v11 =	vshll.u32 v11, $0x4;
	v15 =	vadd.s32 $0xFFFFF000, v15  }
0x119: {  	v16 =	vadd.s32 $0xFFFFF000, v16;
	v17 =	vadd.s32 $0xFFFFF000, v17;
	v12 =	vsel vm6, $0x0, v12  }
0x11a: {  	v18 =	vld [tilespmem:s26+$0xFFFFFFF0];
	v11 =	vor.u32 v0, v11;
	vm8 =	vlt.s32 v15, $0x0;
	vm10 =	vlt.s32 v16, $0x0  }
0x11b: {  	v9 =	vld.idx.msk [tilespmem:v9+s4+$0x0], $0xffff;
	vm9 =	vlt.s32 v17, $0x0;
	v12 =	vshll.u32 v12, $0x4;
	v15 =	vsel vm8, $0x0, v15  }
0x11c: {  	v19 =	vld [tilespmem:s26+$0x0];
	v17 =	vsel vm9, $0x0, v17;
	v15 =	vshll.u32 v15, $0x4;
	v12 =	vor.u32 v0, v12  }
0x11d: {  	v13 =	vld.idx.msk [tilespmem:v13+s4+$0x0], $0xffff;
	v16 =	vsel vm10, $0x0, v16;
	v17 =	vshll.u32 v17, $0x4;
	v15 =	vor.u32 v0, v15  }
0x11e: {  	v14 =	vld.idx.msk [tilespmem:v14+s4+$0x0], $0xffff;
	v16 =	vshll.u32 v16, $0x4;
	v17 =	vor.u32 v0, v17  }
0x11f: {  	v10 =	vld.idx.msk [tilespmem:v10+s4+$0x0], $0xffff;
	v16 =	vor.u32 v0, v16  }
0x120: {  	v6 =	vmax.f32 v6, v4;
	v11 =	vld.idx.msk [tilespmem:v11+s4+$0x0], $0xffff  }
0x121: {  	v3 =	vsel vm0, v3, v8;
	v4 =	vsel vm1, v4, v6;
	v57 =	vld.idx.msk [tilespmem:v12+s4+$0x0], $0xffff  }
0x122: {  	vm14 =	vgt.s32 v1, $0xFFFFFFFF;
	vm15 =	vgt.s32 v2, $0xFFFFFFFF;
	v7 =	vmax.f32 v4, v7;
	v56 =	vld.idx.msk [tilespmem:v15+s4+$0x0], $0xffff  }
0x123: {  	v1 =	vsel vm2, v4, v7;
	v5 =	vmax.f32 v3, v5;
	v59 =	vnsel vm15, $0xFF800000, v14;
	v60 =	vld.idx.msk [tilespmem:v17+s4+$0x0], $0xffff  }
0x124: {  	s28 =	sadd.s32 $0x20, s28;
	v3 =	vsel vm3, v3, v5;
	v58 =	vnsel vm14, $0xFF800000, v13;
	v61 =	vmax.f32 v10, v59;
	v2 =	vld.idx.msk [tilespmem:v16+s4+$0x0], $0xffff  }
0x125: {  	v63 =	vld [tilespmem:s28+$0xFFFFFFF0];
	v9 =	vmax.f32 v1, v9;
	v5 =	vsel vm4, v59, v61;
	v11 =	vmax.f32 v11, v58  }
0x126: {  	v62 =	vld [tilespmem:s28+$0x0];
	v1 =	vsel vm5, v1, v9;
	v4 =	vsel vm7, v58, v11;
	v8 =	vmax.f32 v5, v57  }
0x127: {  	v1 =	vmax.f32 v19, v1;
	v6 =	vmax.f32 v4, v56;
	v5 =	vsel vm6, v5, v8  }
0x128: {  	[tilespmem:s26+$0x0] =	vst v1;
	v4 =	vsel vm8, v4, v6;
	v1 =	vmax.f32 v5, v60  }
0x129: {  	v3 =	vmax.f32 v18, v3;
	v2 =	vmax.f32 v4, v2;
	v1 =	vsel vm9, v5, v1  }
0x12a: {  	p0 =	seq.s32 s23, $0x7;
	[tilespmem:s26+$0xFFFFFFF0] =	vst v3;
	v2 =	vsel vm10, v4, v2;
	v1 =	vmax.f32 v63, v1  }
.Ltmp12:
0x12b: {  	v2 =	vmax.f32 v62, v2;
	[tilespmem:s28+$0xFFFFFFF0] =	vst v1;
	(pc) =	sbr.rel @p0 .LBB2_29-.Ltmp12, $4  }
0x12c: {  	[tilespmem:s28+$0x0] =	vst v2  }
0x12d: {  	_ =	swait.ge [sflag:s15], $0x2000  }
0x12e: {  	[sflag:s15] =	ssyncset.done $0x0  }
0x12f: {  	[sflag:s15] =	ssyncadd.s32 $0xFFFFE000  }
0x130: {  	s25 =	sadd.s32 s21, s25  }
0x131: {  	s25 =	sshrl.u32 s25, $0x3  }
0x132: {  	s26 =	simm.s32 $0x18000;
	s25 =	sadd.s32 s2, s25  }
0x133: {  	[tilespmem:s26], [sflag:$0x1] =	stream.strided.gather [hbm4b:s25+s11], $0x40, s12, s11, $0x38;
	[tilespmem:$0x1C000] =	vst v63  }
0x134: {  	s26 =	simm.s32 $0x100  }
.LBB2_28:
0x135: {  	p0 =	sne.s32 s26, $0x7F00  }
.Ltmp13:
0x136: {  	_ = 	snop;
	(pc) =	sbr.rel @p0 .LBB2_28-.Ltmp13, $4  }
0x137: {  	_ = 	snop  }
0x138: {  	s28 =	sshra.s32 s26, $0x2;
	s26 =	sadd.s32 $0x100, s26  }
0x139: {  	s25 =	sadd.s32 $0x200, s25;
	s28 =	sadd.s32 $0x18000, s28  }
0x13a: {  	[tilespmem:s28], [sflag:$0x1] =	stream.strided.gather [hbm4b:s25+s11], $0x40, s12, s11, $0x38;
	[tilespmem:$0x1C000] =	vst v63  }
.LBB2_29:
0x13b: {  	s25 =	simm.s32 $0x1A040  }
0x13c: {  	v1 =	vld [tilespmem:s25+$0xFFFFFFD0]  }
0x13d: {  	v3 =	vld [tilespmem:s25+$0xFFFFFFC0];
	_ =	sdelay $0x2  }
0x13e: {  	v2 =	vld [tilespmem:s25+$0x10]  }
0x13f: {  	v4 =	vld [tilespmem:s25+$0x0];
	v1 =	vadd.s32 $0xFFFFF000, v1  }
0x140: {  	v6 =	vld [tilespmem:s25+$0xFFFFFFE0];
	v3 =	vadd.s32 $0xFFFFF000, v3;
	vm0 =	vgt.s32 v1, $0x0  }
0x141: {  	v8 =	vld [tilespmem:s25+$0x20];
	vm4 =	vlt.s32 v3, $0x0;
	v5 =	vnsel vm0, $0x0, v1  }
0x142: {  	v3 =	vsel vm4, $0x0, v3;
	v5 =	vshll.u32 v5, $0x4  }
0x143: {  	v9 =	vld [tilespmem:s25+$0xFFFFFFF0];
	v2 =	vadd.s32 $0xFFFFF000, v2;
	v3 =	vshll.u32 v3, $0x4;
	v5 =	vor.u32 v0, v5  }
0x144: {  	vm1 =	vgt.s32 v2, $0x0;
	v3 =	vor.u32 v0, v3  }
0x145: {  	v4 =	vadd.s32 $0xFFFFF000, v4;
	v6 =	vadd.s32 $0xFFFFF000, v6;
	v7 =	vnsel vm1, $0x0, v2  }
0x146: {  	s28 =	simm.s32 $0x1A0C0;
	v10 =	vld [tilespmem:s25+$0x30];
	v8 =	vadd.s32 $0xFFFFF000, v8;
	vm0 =	vlt.s32 v6, $0x0;
	v7 =	vshll.u32 v7, $0x4  }
0x147: {  	v11 =	vld [tilespmem:s28+$0xFFFFFFC0];
	vm1 =	vlt.s32 v4, $0x0;
	v6 =	vsel vm0, $0x0, v6;
	v7 =	vor.u32 v0, v7  }
0x148: {  	v9 =	vadd.s32 $0xFFFFF000, v9;
	v4 =	vsel vm1, $0x0, v4;
	v6 =	vshll.u32 v6, $0x4;
	v5 =	vld.idx.msk [tilespmem:v5+s4+$0x0], $0xffff  }
0x149: {  	vm2 =	vlt.s32 v8, $0x0;
	v4 =	vshll.u32 v4, $0x4;
	v6 =	vor.u32 v0, v6;
	v3 =	vld.idx.msk [tilespmem:v3+s4+$0x0], $0xffff  }
0x14a: {  	v12 =	vld [tilespmem:s28+$0x10];
	vm3 =	vlt.s32 v9, $0x0;
	v8 =	vsel vm2, $0x0, v8;
	v4 =	vor.u32 v0, v4  }
0x14b: {  	v13 =	vld [tilespmem:s28+$0xFFFFFFD0];
	vm5 =	vgt.s32 v1, $0xFFFFFFFF;
	v9 =	vsel vm3, $0x0, v9;
	v8 =	vshll.u32 v8, $0x4  }
0x14c: {  	v1 =	vshll.u32 v9, $0x4;
	v9 =	vadd.s32 $0xFFFFF000, v10;
	v8 =	vor.u32 v0, v8;
	v7 =	vld.idx.msk [tilespmem:v7+s4+$0x0], $0xffff  }
0x14d: {  	vm6 =	vgt.s32 v2, $0xFFFFFFFF;
	v5 =	vnsel vm5, $0xFF800000, v5;
	vm5 =	vlt.s32 v9, $0x0  }
0x14e: {  	v14 =	vor.u32 v0, v1;
	v15 =	vld.idx.msk [tilespmem:v6+s4+$0x0], $0xffff;
	v1 =	vmax.f32 v3, v5;
	v2 =	vsel vm5, $0x0, v9  }
0x14f: {  	v6 =	vld.idx.msk [tilespmem:v4+s4+$0x0], $0xffff;
	v3 =	vsel vm4, v5, v1;
	v5 =	vshll.u32 v2, $0x4  }
0x150: {  	v10 =	vadd.s32 $0xFFFFF000, v11;
	v11 =	vld [tilespmem:s28+$0x0];
	v1 =	vadd.s32 $0xFFFFF000, v12;
	v9 =	vor.u32 v0, v5  }
0x151: {  	v4 =	vnsel vm6, $0xFF800000, v7;
	v7 =	vld.idx.msk [tilespmem:v8+s4+$0x0], $0xffff;
	v2 =	vadd.s32 $0xFFFFF000, v13;
	vm6 =	vgt.s32 v1, $0x0  }
0x152: {  	vm4 =	vlt.s32 v10, $0x0;
	v12 =	vld [tilespmem:s28+$0xFFFFFFE0];
	vm7 =	vgt.s32 v2, $0x0;
	v8 =	vnsel vm6, $0x0, v1  }
0x153: {  	s29 =	simm.s32 $0x2;
	s26 =	smov.u32 s24;
	s25 =	smov.u32 s24;
	v5 =	vld.idx.msk [tilespmem:v14+s4+$0x0], $0xffff;
	v14 =	vnsel vm7, $0x0, v2;
	v13 =	vshll.u32 v8, $0x4;
	v8 =	vmax.f32 v3, v15  }
.LBB2_30:
0x154: {  	s29 =	sadd.s32 $0x2, s29;
	v10 =	vsel vm4, $0x0, v10;
	v14 =	vshll.u32 v14, $0x4;
	v15 =	vld [tilespmem:s25+$0xFFFFFFF0];
	v6 =	vmax.f32 v6, v4;
	s26 =	sadd.s32 $0x20, s26  }
0x155: {  	v13 =	vor.u32 v0, v13;
	p0 =	slt.u32 s29, $0x7E;
	v14 =	vor.u32 v0, v14;
	v4 =	vsel vm1, v4, v6;
	v6 =	vld.idx.msk [tilespmem:v9+s4+$0x0], $0xffff  }
0x156: {  	v9 =	vshll.u32 v10, $0x4;
	v10 =	vadd.s32 $0xFFFFF000, v11;
	v11 =	vld [tilespmem:s28+$0x20];
	v7 =	vmax.f32 v4, v7  }
0x157: {  	v3 =	vsel vm0, v3, v8;
	v9 =	vor.u32 v0, v9;
	vm1 =	vlt.s32 v10, $0x0;
	v8 =	vld [tilespmem:s25+$0x0]  }
0x158: {  	v5 =	vmax.f32 v3, v5;
	v12 =	vadd.s32 $0xFFFFF000, v12;
	v16 =	vld [tilespmem:s28+$0xFFFFFFF0];
	v10 =	vsel vm1, $0x0, v10  }
0x159: {  	v4 =	vsel vm2, v4, v7;
	vm0 =	vlt.s32 v12, $0x0;
	v10 =	vshll.u32 v10, $0x4;
	v17 =	vld [tilespmem:s28+$0x30]  }
0x15a: {  	v3 =	vsel vm3, v3, v5;
	v7 =	vld.idx.msk [tilespmem:v14+s4+$0x0], $0xffff;
	v12 =	vsel vm0, $0x0, v12;
	v10 =	vor.u32 v0, v10  }
0x15b: {  	v6 =	vmax.f32 v4, v6;
	v5 =	vshll.u32 v12, $0x4;
	v12 =	vld.idx.msk [tilespmem:v13+s4+$0x0], $0xffff;
	v11 =	vadd.s32 $0xFFFFF000, v11  }
0x15c: {  	v4 =	vsel vm5, v4, v6;
	v9 =	vld.idx.msk [tilespmem:v9+s4+$0x0], $0xffff;
	v5 =	vor.u32 v0, v5;
	vm2 =	vlt.s32 v11, $0x0  }
0x15d: {  	s28 =	sadd.s32 $0x80, s28;
	v4 =	vmax.f32 v8, v4;
	v6 =	vadd.s32 $0xFFFFF000, v16;
	v11 =	vsel vm2, $0x0, v11  }
0x15e: {  	v3 =	vmax.f32 v15, v3;
	v8 =	vld [tilespmem:s28+$0xFFFFFFC0];
	vm3 =	vlt.s32 v6, $0x0;
	v11 =	vshll.u32 v11, $0x4;
	[tilespmem:s25+$0x0] =	vst v4  }
0x15f: {  	vm5 =	vgt.s32 v2, $0xFFFFFFFF;
	v13 =	vld [tilespmem:s28+$0x10];
	v2 =	vsel vm3, $0x0, v6;
	v11 =	vor.u32 v0, v11;
	[tilespmem:s25+$0xFFFFFFF0] =	vst v3;
	s25 =	smov.u32 s26  }
0x160: {  	v3 =	vnsel vm5, $0xFF800000, v7;
	v7 =	vadd.s32 $0xFFFFF000, v17;
	v14 =	vld [tilespmem:s28+$0xFFFFFFD0];
	v2 =	vshll.u32 v2, $0x4  }
0x161: {  	vm6 =	vgt.s32 v1, $0xFFFFFFFF;
	vm5 =	vlt.s32 v7, $0x0;
	v15 =	vld.idx.msk [tilespmem:v5+s4+$0x0], $0xffff;
	v5 =	vor.u32 v0, v2  }
0x162: {  	v4 =	vnsel vm6, $0xFF800000, v12;
	v1 =	vmax.f32 v9, v3;
	v2 =	vsel vm5, $0x0, v7;
	v6 =	vld.idx.msk [tilespmem:v10+s4+$0x0], $0xffff  }
.Ltmp14:
0x163: {  	v3 =	vsel vm4, v3, v1;
	v2 =	vshll.u32 v2, $0x4;
	v10 =	vadd.s32 $0xFFFFF000, v8;
	(pc) =	sbr.rel @p0 .LBB2_30-.Ltmp14, $4  }
0x164: {  	v9 =	vor.u32 v0, v2;
	vm4 =	vlt.s32 v10, $0x0;
	v1 =	vadd.s32 $0xFFFFF000, v13;
	v7 =	vld.idx.msk [tilespmem:v11+s4+$0x0], $0xffff  }
0x165: {  	v2 =	vadd.s32 $0xFFFFF000, v14;
	v11 =	vld [tilespmem:s28+$0x0];
	vm6 =	vgt.s32 v1, $0x0  }
0x166: {  	vm7 =	vgt.s32 v2, $0x0;
	v8 =	vnsel vm6, $0x0, v1;
	v5 =	vld.idx.msk [tilespmem:v5+s4+$0x0], $0xffff  }
0x167: {  	v14 =	vnsel vm7, $0x0, v2;
	v12 =	vld [tilespmem:s28+$0xFFFFFFE0];
	v13 =	vshll.u32 v8, $0x4;
	v8 =	vmax.f32 v3, v15  }
0x168: {  	v15 =	vld [tilespmem:s28+$0x20]  }
0x169: {  	v16 =	vld [tilespmem:s28+$0x30]  }
0x16a: {  	v14 =	vshll.u32 v14, $0x4;
	v17 =	vld [tilespmem:s28+$0xFFFFFFF0]  }
0x16b: {  	v10 =	vsel vm4, $0x0, v10;
	v13 =	vor.u32 v0, v13;
	v11 =	vadd.s32 $0xFFFFF000, v11  }
0x16c: {  	v14 =	vor.u32 v0, v14;
	v10 =	vshll.u32 v10, $0x4;
	vm7 =	vlt.s32 v11, $0x0  }
0x16d: {  	v10 =	vor.u32 v0, v10;
	v12 =	vadd.s32 $0xFFFFF000, v12;
	v11 =	vsel vm7, $0x0, v11  }
0x16e: {  	vm6 =	vlt.s32 v12, $0x0;
	v11 =	vshll.u32 v11, $0x4;
	v15 =	vadd.s32 $0xFFFFF000, v15  }
0x16f: {  	v16 =	vadd.s32 $0xFFFFF000, v16;
	v17 =	vadd.s32 $0xFFFFF000, v17;
	v12 =	vsel vm6, $0x0, v12  }
0x170: {  	v18 =	vld [tilespmem:s25+$0xFFFFFFF0];
	v11 =	vor.u32 v0, v11;
	vm8 =	vlt.s32 v15, $0x0;
	vm10 =	vlt.s32 v16, $0x0  }
0x171: {  	v9 =	vld.idx.msk [tilespmem:v9+s4+$0x0], $0xffff;
	vm9 =	vlt.s32 v17, $0x0;
	v12 =	vshll.u32 v12, $0x4;
	v15 =	vsel vm8, $0x0, v15  }
0x172: {  	v19 =	vld [tilespmem:s25+$0x0];
	v17 =	vsel vm9, $0x0, v17;
	v15 =	vshll.u32 v15, $0x4;
	v12 =	vor.u32 v0, v12  }
0x173: {  	v13 =	vld.idx.msk [tilespmem:v13+s4+$0x0], $0xffff;
	v16 =	vsel vm10, $0x0, v16;
	v17 =	vshll.u32 v17, $0x4;
	v15 =	vor.u32 v0, v15  }
0x174: {  	v14 =	vld.idx.msk [tilespmem:v14+s4+$0x0], $0xffff;
	v16 =	vshll.u32 v16, $0x4;
	v17 =	vor.u32 v0, v17  }
0x175: {  	v10 =	vld.idx.msk [tilespmem:v10+s4+$0x0], $0xffff;
	v16 =	vor.u32 v0, v16  }
0x176: {  	v6 =	vmax.f32 v6, v4;
	v11 =	vld.idx.msk [tilespmem:v11+s4+$0x0], $0xffff  }
0x177: {  	v3 =	vsel vm0, v3, v8;
	v4 =	vsel vm1, v4, v6;
	v57 =	vld.idx.msk [tilespmem:v12+s4+$0x0], $0xffff  }
0x178: {  	vm14 =	vgt.s32 v1, $0xFFFFFFFF;
	vm15 =	vgt.s32 v2, $0xFFFFFFFF;
	v7 =	vmax.f32 v4, v7;
	v56 =	vld.idx.msk [tilespmem:v15+s4+$0x0], $0xffff  }
0x179: {  	v1 =	vsel vm2, v4, v7;
	v5 =	vmax.f32 v3, v5;
	v59 =	vnsel vm15, $0xFF800000, v14;
	v60 =	vld.idx.msk [tilespmem:v17+s4+$0x0], $0xffff  }
0x17a: {  	s26 =	sadd.s32 $0x20, s26;
	v3 =	vsel vm3, v3, v5;
	v58 =	vnsel vm14, $0xFF800000, v13;
	v61 =	vmax.f32 v10, v59;
	v2 =	vld.idx.msk [tilespmem:v16+s4+$0x0], $0xffff  }
0x17b: {  	v63 =	vld [tilespmem:s26+$0xFFFFFFF0];
	v9 =	vmax.f32 v1, v9;
	v5 =	vsel vm4, v59, v61;
	v11 =	vmax.f32 v11, v58  }
0x17c: {  	s23 =	sadd.s32 $0x1, s23;
	v62 =	vld [tilespmem:s26+$0x0];
	v1 =	vsel vm5, v1, v9;
	v4 =	vsel vm7, v58, v11;
	v8 =	vmax.f32 v5, v57  }
0x17d: {  	p0 =	sne.s32 s23, $0x8;
	v1 =	vmax.f32 v19, v1;
	v6 =	vmax.f32 v4, v56;
	v5 =	vsel vm6, v5, v8  }
.Ltmp15:
0x17e: {  	[tilespmem:s25+$0x0] =	vst v1;
	v4 =	vsel vm8, v4, v6;
	v1 =	vmax.f32 v5, v60;
	(pc) =	sbr.rel @p0 .LBB2_22-.Ltmp15, $4  }
0x17f: {  	v3 =	vmax.f32 v18, v3;
	v2 =	vmax.f32 v4, v2;
	v1 =	vsel vm9, v5, v1  }
0x180: {  	[tilespmem:s25+$0xFFFFFFF0] =	vst v3;
	v2 =	vsel vm10, v4, v2;
	v1 =	vmax.f32 v63, v1  }
0x181: {  	v2 =	vmax.f32 v62, v2;
	[tilespmem:s26+$0xFFFFFFF0] =	vst v1  }
0x182: {  	s22 =	sadd.s32 $0x1000, s22;
	s24 =	sadd.s32 $0x1000, s24;
	[tilespmem:s26+$0x0] =	vst v2  }
0x183: {  	s20 =	sadd.s32 s5, s19;
	s19 =	sadd.s32 $0x1, s19  }
0x184: {  	s20 =	sshll.u32 s20, $0x1;
	p0 =	sne.s32 s19, $0x8  }
.Ltmp16:
0x185: {  	s20 =	sadd.s32 s20, s9;
	(pc) =	sbr.rel @p0 .LBB2_2-.Ltmp16, $4  }
0x186: {  	[hbm4b:s20+s11] =	stream.strided.scatter [tilespmem:s17], [sflag:$0x3], $0x8000, s16, s11, $0x38;
	[tilespmem:$0x1C000] =	vst v63  }
0x187: {  	_ =	swait.ge [sflag:s13], $0x8000  }
0x188: {  	[sflag:s13] =	ssyncset.done $0x0  }
0x189: {  	[sflag:s13] =	ssyncadd.s32 $0xFFFF8000  }
0x18a: {  	s18 =	sadd.s32 $0x1, s18  }
0x18b: {  	p0 =	sne.s32 s18, s10  }
.Ltmp17:
0x18c: {  	_ = 	snop;
	(pc) =	sbr.rel @p0 .LBB2_1-.Ltmp17, $1  }
0x18d: {  	_ =	sdelay $0x3  }
0x18e: {  	_ =	sfence.sel $0x180000  }
0x18f: {  	[bflag:$0x0] =	sbarrier.arrive $0xFFFF  }
0x190: {  	p0 =	sne.s32 s3, $0x0;
	_ =	strace $0x90000047  }
0x191: {  	s0 =	sadd.s32 @!p0 $0x100000, s0;
	[bflag:$0x2] =	sbarrier.arrive $0xFFFF  }
0x192: {  	[sflag:s0] =	ssyncadd.tile.s32 @!p0 $0x1;
	_ =	shalt  }
.Lfunc_end2:
_tile_overlayer_lowered:
.L_overlay_start_2:
0x193: {  	(tag) =	ssettag $0x2  }
0x194: {  	s0 =	rddreg [dreg:$0x0];
	s2 =	stileid.u32  }
0x195: {  	s1 =	rddreg [dreg:$0x1];
	p0 =	sne.s32 s2, $0x0  }
0x196: {  	s3 =	rddreg [dreg:$0x2];
	[bflag:$0x3] =	sbarrier.arrive $0xFFFF;
	s2 =	simm.s32 @!p0 $0x1C03  }
0x197: {  	[timem:s3], [sflag:s2] =	dma.local @!p0 [hbm:s0], s1  }
0x198: {  	s0 =	simm.s32 @!p0 $0x3  }
0x199: {  	_ =	swait.ge @!p0 [sflag:s0], s1  }
0x19a: {  	s1 =	ssub.s32 @!p0 $0x0, s1;
	[sflag:s0] =	ssyncset.done @!p0 $0x0  }
0x19b: {  	[sflag:s0] =	ssyncadd.s32 @!p0 s1  }
0x19c: {  	[bflag:$0x3] =	sbarrier.arrive $0xFFFF  }
0x19d: {  	_ =	shalt  }

</sc_bundles>
